<compile_context>
chip_gen: v7x
topology: tpu7x:2x2x1
jax: 0.10.2.dev20260603
libtpu: 0.0.44.dev20260713+nightly
codegen_flags: <defaults>
</compile_context>

<pallas_src>
import functools

import jax
import jax.numpy as jnp
from jax import lax
from jax.experimental import pallas as pl
from jax.experimental.pallas import tpu as pltpu
from jax.experimental.pallas import tpu_sc as plsc

_NC = 2
_NS = 16
_NW = _NC * _NS
_NBUF = 4


def _sc_aggregate(x, src3d, dst3d, zrows, ib):
    np_, d = zrows.shape
    _, n_chunks, chunk = src3d.shape
    rpt = np_ // _NS

    mesh = plsc.VectorSubcoreMesh(
        core_axis_name="c", subcore_axis_name="s",
        num_cores=_NC, num_subcores=_NS)

    @functools.partial(
        pl.kernel, mesh=mesh,
        out_type=jax.ShapeDtypeStruct((_NC * np_, d), jnp.float32),
        compiler_params=pltpu.CompilerParams(use_tc_tiling_on_sc=False),
        scratch_types=[
            pltpu.VMEM((ib, chunk), jnp.int32),
            pltpu.VMEM((ib, chunk), jnp.int32),
        ] + [pltpu.VMEM((chunk, d), jnp.float32)] * _NBUF
          + [pltpu.VMEM_SHARED((np_, d), jnp.float32)]
          + [pltpu.SemaphoreType.DMA] * (2 * _NBUF))
    def k(x_hbm, src_hbm, dst_hbm, z_hbm, acc_out, src_v, dst_v, *rest):
        bufs = list(rest[:_NBUF])
        acc_s = rest[_NBUF]
        gsems = list(rest[_NBUF + 1:2 * _NBUF + 1])
        ssems = list(rest[2 * _NBUF + 1:])
        c = lax.axis_index("c")
        s = lax.axis_index("s")
        wid = s * _NC + c
        row0 = s * rpt
        pltpu.sync_copy(z_hbm.at[pl.ds(row0, rpt)], acc_s.at[pl.ds(row0, rpt)])
        plsc.subcore_barrier()

        def start_g(j, buf, sem):
            pltpu.async_copy(x_hbm.at[src_v.at[j]], buf, sem)

        def wait_g(buf, sem):
            pltpu.make_async_copy(x_hbm.at[src_v.at[0]], buf, sem).wait()

        def start_s(j, buf, sem):
            pltpu.async_copy(buf, acc_s.at[dst_v.at[j]], sem, add=True)

        def wait_s(buf, sem):
            pltpu.make_async_copy(buf, acc_s.at[dst_v.at[0]], sem).wait()

        def block_body(b, carry):
            pltpu.sync_copy(src_hbm.at[wid, pl.ds(b * ib, ib)], src_v)
            pltpu.sync_copy(dst_hbm.at[wid, pl.ds(b * ib, ib)], dst_v)
            for p in range(_NBUF):
                start_g(p, bufs[p], gsems[p])

            def loop_body(i, c2):
                j0 = _NBUF * i
                for p in range(_NBUF):
                    wait_g(bufs[p], gsems[p])
                    start_s(j0 + p, bufs[p], ssems[p])
                for p in range(_NBUF):
                    wait_s(bufs[p], ssems[p])
                    start_g(j0 + _NBUF + p, bufs[p], gsems[p])
                return c2

            lax.fori_loop(0, ib // _NBUF - 1, loop_body, 0)
            for p in range(_NBUF):
                wait_g(bufs[p], gsems[p])
                start_s(ib - _NBUF + p, bufs[p], ssems[p])
            for p in range(_NBUF):
                wait_s(bufs[p], ssems[p])
            return carry

        lax.fori_loop(0, n_chunks // ib, block_body, 0)

        plsc.subcore_barrier()
        pltpu.sync_copy(acc_s.at[pl.ds(row0, rpt)],
                        acc_out.at[pl.ds(c * np_ + row0, rpt)])

    return k(x, src3d, dst3d, zrows)


def _tc_combine(acc, degacc, xin, w_l, b_l, w_r, relu):
    d, d_out = w_l.shape
    npp = acc.shape[0] // 2
    bn = 632
    nb = npp // bn
    da = acc.shape[1]
    dx = xin.shape[1]

    dg = degacc.shape[1]

    def body(a0, a1, g0, g1, xr, wl, bl, wr, out):
        deg = g0[:, dg - 16:dg - 15] + g1[:, dg - 16:dg - 15]
        agg = (a0[:, :d] + a1[:, :d]) / jnp.maximum(deg, 1.0)
        r = jnp.dot(agg, wl[...], preferred_element_type=jnp.float32)
        r = r + bl[...] + jnp.dot(xr[:, :d], wr[...],
                                  preferred_element_type=jnp.float32)
        if relu:
            r = jnp.maximum(r, 0.0)
        out[...] = r

    return pl.pallas_call(
        body,
        grid=(nb,),
        in_specs=[
            pl.BlockSpec((bn, da), lambda i: (i, 0)),
            pl.BlockSpec((bn, da), lambda i: (i + nb, 0)),
            pl.BlockSpec((bn, dg), lambda i: (i, 0)),
            pl.BlockSpec((bn, dg), lambda i: (i + nb, 0)),
            pl.BlockSpec((bn, dx), lambda i: (i, 0)),
            pl.BlockSpec((d, d_out), lambda i: (0, 0)),
            pl.BlockSpec((1, d_out), lambda i: (0, 0)),
            pl.BlockSpec((d, d_out), lambda i: (0, 0)),
        ],
        out_specs=pl.BlockSpec((bn, d_out), lambda i: (i, 0)),
        out_shape=jax.ShapeDtypeStruct((npp, d_out), jnp.float32),
    )(acc, acc, degacc, degacc, xin, w_l, b_l.reshape(1, d_out), w_r)


def kernel(x, edge_index, W_l1, b_l1, W_r1, W_l2, b_l2, W_r2):
    n, d = x.shape
    e = edge_index.shape[1]
    e_per_w = e // _NW
    align = 8 * _NS
    np_ = ((n + align - 1) // align) * align

    def edges3d(chunk, ib):
        blk = chunk * ib
        e_pad = ((e_per_w + blk - 1) // blk) * blk
        n_chunks = e_pad // chunk
        srcw = jnp.pad(edge_index[0].reshape(_NW, e_per_w),
                       ((0, 0), (0, e_pad - e_per_w)))
        dstw = jnp.pad(edge_index[1].reshape(_NW, e_per_w),
                       ((0, 0), (0, e_pad - e_per_w)), constant_values=n)
        return (srcw.reshape(_NW, n_chunks, chunk),
                dstw.reshape(_NW, n_chunks, chunk))

    de = d + 16
    x_ext = jnp.pad(
        jnp.concatenate([x, jnp.ones((n, 16), jnp.float32)], axis=1),
        ((0, np_ - n), (0, 0)))
    src1, dst1 = edges3d(32, 16)
    acc1 = _sc_aggregate(x_ext, src1, dst1, jnp.zeros((np_, de), jnp.float32),
                         16)
    h = _tc_combine(acc1, acc1, x_ext, W_l1, b_l1, W_r1, relu=True)
    src2, dst2 = edges3d(40, 32)
    acc2 = _sc_aggregate(h, src2, dst2, jnp.zeros((np_, d), jnp.float32), 32)
    out = _tc_combine(acc2, acc1, h, W_l2, b_l2, W_r2, relu=False)
    return out[:n]

# --- scband reference (transcript-rebuilt; emitter-appended) ---
"""Pipeline reference for scband-graph-encoder-19731079757865 (READ-ONLY COPY).

The authoritative reference and input builder live on the scoring server;
editing this copy changes nothing except your own understanding.
"""

import jax, jax.numpy as jnp
import numpy as np

N = 10000
E = 320000
D_IN = 128
D_HID = 128
D_OUT = 128


def setup_inputs(seed: int = 0) -> dict:
    key = jax.random.key(seed)
    ks = jax.random.split(key, 10)
    x = jax.random.normal(ks[0], (N, D_IN), dtype=jnp.float32)
    edge_index = jax.random.randint(ks[1], (2, E), 0, N, dtype=jnp.int32)
    s1 = 1.0 / np.sqrt(D_IN)
    s2 = 1.0 / np.sqrt(D_HID)
    # SAGEConv layer 1 (PyG semantics): out = mean_aggr(x[src] -> dst) @ W_l + b_l + x @ W_r
    W_l1 = jax.random.normal(ks[2], (D_IN, D_HID), dtype=jnp.float32) * s1
    b_l1 = jnp.zeros((D_HID,), dtype=jnp.float32)
    W_r1 = jax.random.normal(ks[3], (D_IN, D_HID), dtype=jnp.float32) * s1
    # SAGEConv layer 2
    W_l2 = jax.random.normal(ks[4], (D_HID, D_OUT), dtype=jnp.float32) * s2
    b_l2 = jnp.zeros((D_OUT,), dtype=jnp.float32)
    W_r2 = jax.random.normal(ks[5], (D_HID, D_OUT), dtype=jnp.float32) * s2
    return {
        "x": x,
        "edge_index": edge_index,
        "W_l1": W_l1, "b_l1": b_l1, "W_r1": W_r1,
        "W_l2": W_l2, "b_l2": b_l2, "W_r2": W_r2,
    }


def _sage_conv(x, edge_index, W_l, b_l, W_r):
    src = edge_index[0]
    dst = edge_index[1]
    msgs = jnp.take(x, src, axis=0)                       # gather: x_j
    agg = jax.ops.segment_sum(msgs, dst, num_segments=N)  # scatter-add at dst
    deg = jax.ops.segment_sum(jnp.ones((E,), dtype=x.dtype), dst, num_segments=N)
    agg = agg / jnp.clip(deg, 1.0)[:, None]               # mean aggregation
    return agg @ W_l + b_l + x @ W_r                      # lin_l(aggr) + lin_r(x)


def reference(x, edge_index, W_l1, b_l1, W_r1, W_l2, b_l2, W_r2):
    h = _sage_conv(x, edge_index, W_l1, b_l1, W_r1)
    h = jax.nn.relu(h)
    # dropout p=0.0 -> identity
    out = _sage_conv(h, edge_index, W_l2, b_l2, W_r2)
    return out

if __name__ == "__main__":
    import jax
    _d = setup_inputs()
    print(jax.jit(kernel)(*tuple(_d.values())))

</pallas_src>

<mosaic_0001>
#map = affine_map<(d0, d1) -> (0, 0)>
#map1 = affine_map<(d0, d1) -> (0, 0, 0)>
module attributes {stable_mosaic.version = 14 : i64} {
  func.func @k(%arg0: i32, %arg1: i32, %arg2: memref<10112x128xf32, #tpu.memory_space<hbm>>, %arg3: memref<32x256x40xi32, #tpu.memory_space<hbm>>, %arg4: memref<32x256x40xi32, #tpu.memory_space<hbm>>, %arg5: memref<10112x128xf32, #tpu.memory_space<hbm>>, %arg6: memref<20224x128xf32, #tpu.memory_space<hbm>>, %arg7: memref<32x40xi32, #tpu.memory_space<vmem>>, %arg8: memref<32x40xi32, #tpu.memory_space<vmem>>, %arg9: memref<40x128xf32, #tpu.memory_space<vmem>>, %arg10: memref<40x128xf32, #tpu.memory_space<vmem>>, %arg11: memref<40x128xf32, #tpu.memory_space<vmem>>, %arg12: memref<40x128xf32, #tpu.memory_space<vmem>>, %arg13: memref<10112x128xf32, #tpu.memory_space<vmem_shared>>, %arg14: memref<!tpu.dma_semaphore, #tpu.memory_space<semaphore_mem>>, %arg15: memref<!tpu.dma_semaphore, #tpu.memory_space<semaphore_mem>>, %arg16: memref<!tpu.dma_semaphore, #tpu.memory_space<semaphore_mem>>, %arg17: memref<!tpu.dma_semaphore, #tpu.memory_space<semaphore_mem>>, %arg18: memref<!tpu.dma_semaphore, #tpu.memory_space<semaphore_mem>>, %arg19: memref<!tpu.dma_semaphore, #tpu.memory_space<semaphore_mem>>, %arg20: memref<!tpu.dma_semaphore, #tpu.memory_space<semaphore_mem>>, %arg21: memref<!tpu.dma_semaphore, #tpu.memory_space<semaphore_mem>>) attributes {dimension_semantics = [#tpu.dimension_semantics<core_parallel>, #tpu.dimension_semantics<subcore_parallel>], iteration_bounds = array<i64: 2, 16>, scalar_prefetch = 0 : i64, scratch_operands = 15 : i64, tpu.core_type = #tpu.core_type<sc_vector_subcore>, window_params = [{transform_indices = #map}, {transform_indices = #map1}, {transform_indices = #map1}, {transform_indices = #map}, {transform_indices = #map}]} {
    %mul3A = arith.constant 2 : i32
    %mul3A_0 = arith.muli %arg1, %mul3A : i32
    %add3A = arith.addi %mul3A_0, %arg0 : i32
    %mul3A_1 = arith.constant 632 : i32
    %mul3A_2 = arith.muli %arg1, %mul3A_1 : i32
    "tpu.region"() ({
      %run_scoped3A = tpu.sem_alloc : memref<!tpu.dma_semaphore, #tpu.memory_space<semaphore_mem>>
      %dma_start3A = arith.constant 0 : i32
      %dma_start3A_12 = tpu.memref_slice %arg13[%mul3A_2, %dma_start3A] : memref<10112x128xf32, #tpu.memory_space<vmem_shared>> -> memref<632x128xf32, #tpu.memory_space<vmem_shared>>
      %dma_start3A_13 = arith.constant 0 : i32
      %dma_start3A_14 = tpu.memref_slice %arg5[%mul3A_2, %dma_start3A_13] : memref<10112x128xf32, #tpu.memory_space<hbm>> -> memref<632x128xf32, #tpu.memory_space<hbm>>
      tpu.enqueue_dma source(%dma_start3A_14 : memref<632x128xf32, #tpu.memory_space<hbm>>) target(%dma_start3A_12 : memref<632x128xf32, #tpu.memory_space<vmem_shared>>) target_semaphore(%run_scoped3A : memref<!tpu.dma_semaphore, #tpu.memory_space<semaphore_mem>>)
      %dma_wait3A = arith.constant 0 : i32
      %dma_wait3A_15 = tpu.memref_slice %arg13[%mul3A_2, %dma_wait3A] : memref<10112x128xf32, #tpu.memory_space<vmem_shared>> -> memref<632x128xf32, #tpu.memory_space<vmem_shared>>
      %dma_wait3A_16 = arith.constant 0 : i32
      %dma_wait3A_17 = tpu.memref_slice %arg5[%mul3A_2, %dma_wait3A_16] : memref<10112x128xf32, #tpu.memory_space<hbm>> -> memref<632x128xf32, #tpu.memory_space<hbm>>
      tpu.wait_dma2 semaphore(%run_scoped3A : memref<!tpu.dma_semaphore, #tpu.memory_space<semaphore_mem>>) src(%dma_wait3A_17 : memref<632x128xf32, #tpu.memory_space<hbm>>) dst(%dma_wait3A_15 : memref<632x128xf32, #tpu.memory_space<vmem_shared>>)
      tpu.yield
    }) : () -> ()
    %barrier3A = arith.constant 0 : index
    tpu.barrier barrier_id(%barrier3A)
    %scan3A = arith.constant 0 : i32
    %scan3A_3 = arith.constant 0 : i32
    %scan3A_4 = arith.constant 8 : i32
    %scan3A_5 = arith.addi %scan3A_3, %scan3A_4 : i32
    %scan3A_6 = arith.constant 1 : i32
    scf.for %scan3A_12 = %scan3A_3 to %scan3A_5 step %scan3A_6  : i32 {
      %mul3A_13 = arith.constant 32 : i32
      %mul3A_14 = arith.muli %scan3A_12, %mul3A_13 : i32
      "tpu.region"() ({
        %run_scoped3A = tpu.sem_alloc : memref<!tpu.dma_semaphore, #tpu.memory_space<semaphore_mem>>
        %dma_start3A_133 = arith.constant 0 : i32
        %dma_start3A_134 = tpu.memref_slice %arg3[%add3A, %mul3A_14, %dma_start3A_133] : memref<32x256x40xi32, #tpu.memory_space<hbm>> -> memref<1x32x40xi32, #tpu.memory_space<hbm>>
        %dma_start3A_135 = tpu.memref_squeeze %dma_start3A_134 : memref<1x32x40xi32, #tpu.memory_space<hbm>> -> memref<32x40xi32, #tpu.memory_space<hbm>>
        %dma_start3A_136 = arith.constant 0 : i32
        %dma_start3A_137 = tpu.memref_slice %arg3[%add3A, %mul3A_14, %dma_start3A_136] : memref<32x256x40xi32, #tpu.memory_space<hbm>> -> memref<1x32x40xi32, #tpu.memory_space<hbm>>
        %dma_start3A_138 = tpu.memref_squeeze %dma_start3A_137 : memref<1x32x40xi32, #tpu.memory_space<hbm>> -> memref<32x40xi32, #tpu.memory_space<hbm>>
        tpu.enqueue_dma source(%dma_start3A_138 : memref<32x40xi32, #tpu.memory_space<hbm>>) target(%arg7 : memref<32x40xi32, #tpu.memory_space<vmem>>) target_semaphore(%run_scoped3A : memref<!tpu.dma_semaphore, #tpu.memory_space<semaphore_mem>>)
        %dma_wait3A_139 = arith.constant 0 : i32
        %dma_wait3A_140 = tpu.memref_slice %arg3[%add3A, %mul3A_14, %dma_wait3A_139] : memref<32x256x40xi32, #tpu.memory_space<hbm>> -> memref<1x32x40xi32, #tpu.memory_space<hbm>>
        %dma_wait3A_141 = tpu.memref_squeeze %dma_wait3A_140 : memref<1x32x40xi32, #tpu.memory_space<hbm>> -> memref<32x40xi32, #tpu.memory_space<hbm>>
        %dma_wait3A_142 = arith.constant 0 : i32
        %dma_wait3A_143 = tpu.memref_slice %arg3[%add3A, %mul3A_14, %dma_wait3A_142] : memref<32x256x40xi32, #tpu.memory_space<hbm>> -> memref<1x32x40xi32, #tpu.memory_space<hbm>>
        %dma_wait3A_144 = tpu.memref_squeeze %dma_wait3A_143 : memref<1x32x40xi32, #tpu.memory_space<hbm>> -> memref<32x40xi32, #tpu.memory_space<hbm>>
        tpu.wait_dma2 semaphore(%run_scoped3A : memref<!tpu.dma_semaphore, #tpu.memory_space<semaphore_mem>>) src(%dma_wait3A_144 : memref<32x40xi32, #tpu.memory_space<hbm>>) dst(%arg7 : memref<32x40xi32, #tpu.memory_space<vmem>>)
        tpu.yield
      }) : () -> ()
      %mul3A_15 = arith.constant 32 : i32
      %mul3A_16 = arith.muli %scan3A_12, %mul3A_15 : i32
      "tpu.region"() ({
        %run_scoped3A = tpu.sem_alloc : memref<!tpu.dma_semaphore, #tpu.memory_space<semaphore_mem>>
        %dma_start3A_133 = arith.constant 0 : i32
        %dma_start3A_134 = tpu.memref_slice %arg4[%add3A, %mul3A_16, %dma_start3A_133] : memref<32x256x40xi32, #tpu.memory_space<hbm>> -> memref<1x32x40xi32, #tpu.memory_space<hbm>>
        %dma_start3A_135 = tpu.memref_squeeze %dma_start3A_134 : memref<1x32x40xi32, #tpu.memory_space<hbm>> -> memref<32x40xi32, #tpu.memory_space<hbm>>
        %dma_start3A_136 = arith.constant 0 : i32
        %dma_start3A_137 = tpu.memref_slice %arg4[%add3A, %mul3A_16, %dma_start3A_136] : memref<32x256x40xi32, #tpu.memory_space<hbm>> -> memref<1x32x40xi32, #tpu.memory_space<hbm>>
        %dma_start3A_138 = tpu.memref_squeeze %dma_start3A_137 : memref<1x32x40xi32, #tpu.memory_space<hbm>> -> memref<32x40xi32, #tpu.memory_space<hbm>>
        tpu.enqueue_dma source(%dma_start3A_138 : memref<32x40xi32, #tpu.memory_space<hbm>>) target(%arg8 : memref<32x40xi32, #tpu.memory_space<vmem>>) target_semaphore(%run_scoped3A : memref<!tpu.dma_semaphore, #tpu.memory_space<semaphore_mem>>)
        %dma_wait3A_139 = arith.constant 0 : i32
        %dma_wait3A_140 = tpu.memref_slice %arg4[%add3A, %mul3A_16, %dma_wait3A_139] : memref<32x256x40xi32, #tpu.memory_space<hbm>> -> memref<1x32x40xi32, #tpu.memory_space<hbm>>
        %dma_wait3A_141 = tpu.memref_squeeze %dma_wait3A_140 : memref<1x32x40xi32, #tpu.memory_space<hbm>> -> memref<32x40xi32, #tpu.memory_space<hbm>>
        %dma_wait3A_142 = arith.constant 0 : i32
        %dma_wait3A_143 = tpu.memref_slice %arg4[%add3A, %mul3A_16, %dma_wait3A_142] : memref<32x256x40xi32, #tpu.memory_space<hbm>> -> memref<1x32x40xi32, #tpu.memory_space<hbm>>
        %dma_wait3A_144 = tpu.memref_squeeze %dma_wait3A_143 : memref<1x32x40xi32, #tpu.memory_space<hbm>> -> memref<32x40xi32, #tpu.memory_space<hbm>>
        tpu.wait_dma2 semaphore(%run_scoped3A : memref<!tpu.dma_semaphore, #tpu.memory_space<semaphore_mem>>) src(%dma_wait3A_144 : memref<32x40xi32, #tpu.memory_space<hbm>>) dst(%arg8 : memref<32x40xi32, #tpu.memory_space<vmem>>)
        tpu.yield
      }) : () -> ()
      %dma_start3A = arith.constant 0 : i32
      %dma_start3A_17 = arith.constant 0 : i32
      %dma_start3A_18 = tpu.memref_slice %arg7[%dma_start3A, %dma_start3A_17] : memref<32x40xi32, #tpu.memory_space<vmem>> -> memref<1x40xi32, #tpu.memory_space<vmem>>
      %dma_start3A_19 = tpu.memref_squeeze %dma_start3A_18 : memref<1x40xi32, #tpu.memory_space<vmem>> -> memref<40xi32, #tpu.memory_space<vmem>>
      %dma_start3A_20 = arith.constant 0 : i32
      %dma_start3A_21 = arith.constant 0 : i32
      %dma_start3A_22 = tpu.memref_slice %arg2[%dma_start3A_20, %dma_start3A_21] : memref<10112x128xf32, #tpu.memory_space<hbm>> -> memref<10112x128xf32, #tpu.memory_space<hbm>>
      tpu.enqueue_indirect_dma source(%dma_start3A_22 : memref<10112x128xf32, #tpu.memory_space<hbm>>) target(%arg9 : memref<40x128xf32, #tpu.memory_space<vmem>>) offsets(%dma_start3A_19 : memref<40xi32, #tpu.memory_space<vmem>>) semaphore(%arg14 : memref<!tpu.dma_semaphore, #tpu.memory_space<semaphore_mem>>)
      %dma_start3A_23 = arith.constant 1 : i32
      %dma_start3A_24 = arith.constant 0 : i32
      %dma_start3A_25 = tpu.memref_slice %arg7[%dma_start3A_23, %dma_start3A_24] : memref<32x40xi32, #tpu.memory_space<vmem>> -> memref<1x40xi32, #tpu.memory_space<vmem>>
      %dma_start3A_26 = tpu.memref_squeeze %dma_start3A_25 : memref<1x40xi32, #tpu.memory_space<vmem>> -> memref<40xi32, #tpu.memory_space<vmem>>
      %dma_start3A_27 = arith.constant 0 : i32
      %dma_start3A_28 = arith.constant 0 : i32
      %dma_start3A_29 = tpu.memref_slice %arg2[%dma_start3A_27, %dma_start3A_28] : memref<10112x128xf32, #tpu.memory_space<hbm>> -> memref<10112x128xf32, #tpu.memory_space<hbm>>
      tpu.enqueue_indirect_dma source(%dma_start3A_29 : memref<10112x128xf32, #tpu.memory_space<hbm>>) target(%arg10 : memref<40x128xf32, #tpu.memory_space<vmem>>) offsets(%dma_start3A_26 : memref<40xi32, #tpu.memory_space<vmem>>) semaphore(%arg15 : memref<!tpu.dma_semaphore, #tpu.memory_space<semaphore_mem>>)
      %dma_start3A_30 = arith.constant 2 : i32
      %dma_start3A_31 = arith.constant 0 : i32
      %dma_start3A_32 = tpu.memref_slice %arg7[%dma_start3A_30, %dma_start3A_31] : memref<32x40xi32, #tpu.memory_space<vmem>> -> memref<1x40xi32, #tpu.memory_space<vmem>>
      %dma_start3A_33 = tpu.memref_squeeze %dma_start3A_32 : memref<1x40xi32, #tpu.memory_space<vmem>> -> memref<40xi32, #tpu.memory_space<vmem>>
      %dma_start3A_34 = arith.constant 0 : i32
      %dma_start3A_35 = arith.constant 0 : i32
      %dma_start3A_36 = tpu.memref_slice %arg2[%dma_start3A_34, %dma_start3A_35] : memref<10112x128xf32, #tpu.memory_space<hbm>> -> memref<10112x128xf32, #tpu.memory_space<hbm>>
      tpu.enqueue_indirect_dma source(%dma_start3A_36 : memref<10112x128xf32, #tpu.memory_space<hbm>>) target(%arg11 : memref<40x128xf32, #tpu.memory_space<vmem>>) offsets(%dma_start3A_33 : memref<40xi32, #tpu.memory_space<vmem>>) semaphore(%arg16 : memref<!tpu.dma_semaphore, #tpu.memory_space<semaphore_mem>>)
      %dma_start3A_37 = arith.constant 3 : i32
      %dma_start3A_38 = arith.constant 0 : i32
      %dma_start3A_39 = tpu.memref_slice %arg7[%dma_start3A_37, %dma_start3A_38] : memref<32x40xi32, #tpu.memory_space<vmem>> -> memref<1x40xi32, #tpu.memory_space<vmem>>
      %dma_start3A_40 = tpu.memref_squeeze %dma_start3A_39 : memref<1x40xi32, #tpu.memory_space<vmem>> -> memref<40xi32, #tpu.memory_space<vmem>>
      %dma_start3A_41 = arith.constant 0 : i32
      %dma_start3A_42 = arith.constant 0 : i32
      %dma_start3A_43 = tpu.memref_slice %arg2[%dma_start3A_41, %dma_start3A_42] : memref<10112x128xf32, #tpu.memory_space<hbm>> -> memref<10112x128xf32, #tpu.memory_space<hbm>>
      tpu.enqueue_indirect_dma source(%dma_start3A_43 : memref<10112x128xf32, #tpu.memory_space<hbm>>) target(%arg12 : memref<40x128xf32, #tpu.memory_space<vmem>>) offsets(%dma_start3A_40 : memref<40xi32, #tpu.memory_space<vmem>>) semaphore(%arg17 : memref<!tpu.dma_semaphore, #tpu.memory_space<semaphore_mem>>)
      %scan3A_44 = arith.constant 0 : i32
      %scan3A_45 = arith.constant 0 : i32
      %scan3A_46 = arith.constant 7 : i32
      %scan3A_47 = arith.addi %scan3A_45, %scan3A_46 : i32
      %scan3A_48 = arith.constant 1 : i32
      scf.for %scan3A_133 = %scan3A_45 to %scan3A_47 step %scan3A_48  : i32 {
        %mul3A_134 = arith.constant 4 : i32
        %mul3A_135 = arith.muli %mul3A_134, %scan3A_133 : i32
        %dma_wait3A_136 = arith.constant 0 : i32
        %dma_wait3A_137 = arith.constant 0 : i32
        %dma_wait3A_138 = tpu.memref_slice %arg7[%dma_wait3A_136, %dma_wait3A_137] : memref<32x40xi32, #tpu.memory_space<vmem>> -> memref<1x40xi32, #tpu.memory_space<vmem>>
        %dma_wait3A_139 = tpu.memref_squeeze %dma_wait3A_138 : memref<1x40xi32, #tpu.memory_space<vmem>> -> memref<40xi32, #tpu.memory_space<vmem>>
        %dma_wait3A_140 = arith.constant 0 : i32
        %dma_wait3A_141 = arith.constant 0 : i32
        %dma_wait3A_142 = tpu.memref_slice %arg2[%dma_wait3A_140, %dma_wait3A_141] : memref<10112x128xf32, #tpu.memory_space<hbm>> -> memref<10112x128xf32, #tpu.memory_space<hbm>>
        tpu.wait_indirect_dma semaphore(%arg14 : memref<!tpu.dma_semaphore, #tpu.memory_space<semaphore_mem>>) src(%dma_wait3A_142 : memref<10112x128xf32, #tpu.memory_space<hbm>>) dst(%arg9 : memref<40x128xf32, #tpu.memory_space<vmem>>)
        %add3A_143 = arith.constant 0 : i32
        %add3A_144 = arith.addi %mul3A_135, %add3A_143 : i32
        %dma_start3A_145 = arith.constant 0 : i32
        %dma_start3A_146 = tpu.memref_slice %arg8[%add3A_144, %dma_start3A_145] : memref<32x40xi32, #tpu.memory_space<vmem>> -> memref<1x40xi32, #tpu.memory_space<vmem>>
        %dma_start3A_147 = tpu.memref_squeeze %dma_start3A_146 : memref<1x40xi32, #tpu.memory_space<vmem>> -> memref<40xi32, #tpu.memory_space<vmem>>
        %dma_start3A_148 = arith.constant 0 : i32
        %dma_start3A_149 = arith.constant 0 : i32
        %dma_start3A_150 = tpu.memref_slice %arg13[%dma_start3A_148, %dma_start3A_149] : memref<10112x128xf32, #tpu.memory_space<vmem_shared>> -> memref<10112x128xf32, #tpu.memory_space<vmem_shared>>
        tpu.enqueue_indirect_dma source(%arg9 : memref<40x128xf32, #tpu.memory_space<vmem>>) target(%dma_start3A_150 : memref<10112x128xf32, #tpu.memory_space<vmem_shared>>) offsets(%dma_start3A_147 : memref<40xi32, #tpu.memory_space<vmem>>) semaphore(%arg18 : memref<!tpu.dma_semaphore, #tpu.memory_space<semaphore_mem>>) {add = true}
        %dma_wait3A_151 = arith.constant 0 : i32
        %dma_wait3A_152 = arith.constant 0 : i32
        %dma_wait3A_153 = tpu.memref_slice %arg7[%dma_wait3A_151, %dma_wait3A_152] : memref<32x40xi32, #tpu.memory_space<vmem>> -> memref<1x40xi32, #tpu.memory_space<vmem>>
        %dma_wait3A_154 = tpu.memref_squeeze %dma_wait3A_153 : memref<1x40xi32, #tpu.memory_space<vmem>> -> memref<40xi32, #tpu.memory_space<vmem>>
        %dma_wait3A_155 = arith.constant 0 : i32
        %dma_wait3A_156 = arith.constant 0 : i32
        %dma_wait3A_157 = tpu.memref_slice %arg2[%dma_wait3A_155, %dma_wait3A_156] : memref<10112x128xf32, #tpu.memory_space<hbm>> -> memref<10112x128xf32, #tpu.memory_space<hbm>>
        tpu.wait_indirect_dma semaphore(%arg15 : memref<!tpu.dma_semaphore, #tpu.memory_space<semaphore_mem>>) src(%dma_wait3A_157 : memref<10112x128xf32, #tpu.memory_space<hbm>>) dst(%arg10 : memref<40x128xf32, #tpu.memory_space<vmem>>)
        %add3A_158 = arith.constant 1 : i32
        %add3A_159 = arith.addi %mul3A_135, %add3A_158 : i32
        %dma_start3A_160 = arith.constant 0 : i32
        %dma_start3A_161 = tpu.memref_slice %arg8[%add3A_159, %dma_start3A_160] : memref<32x40xi32, #tpu.memory_space<vmem>> -> memref<1x40xi32, #tpu.memory_space<vmem>>
        %dma_start3A_162 = tpu.memref_squeeze %dma_start3A_161 : memref<1x40xi32, #tpu.memory_space<vmem>> -> memref<40xi32, #tpu.memory_space<vmem>>
        %dma_start3A_163 = arith.constant 0 : i32
        %dma_start3A_164 = arith.constant 0 : i32
        %dma_start3A_165 = tpu.memref_slice %arg13[%dma_start3A_163, %dma_start3A_164] : memref<10112x128xf32, #tpu.memory_space<vmem_shared>> -> memref<10112x128xf32, #tpu.memory_space<vmem_shared>>
        tpu.enqueue_indirect_dma source(%arg10 : memref<40x128xf32, #tpu.memory_space<vmem>>) target(%dma_start3A_165 : memref<10112x128xf32, #tpu.memory_space<vmem_shared>>) offsets(%dma_start3A_162 : memref<40xi32, #tpu.memory_space<vmem>>) semaphore(%arg19 : memref<!tpu.dma_semaphore, #tpu.memory_space<semaphore_mem>>) {add = true}
        %dma_wait3A_166 = arith.constant 0 : i32
        %dma_wait3A_167 = arith.constant 0 : i32
        %dma_wait3A_168 = tpu.memref_slice %arg7[%dma_wait3A_166, %dma_wait3A_167] : memref<32x40xi32, #tpu.memory_space<vmem>> -> memref<1x40xi32, #tpu.memory_space<vmem>>
        %dma_wait3A_169 = tpu.memref_squeeze %dma_wait3A_168 : memref<1x40xi32, #tpu.memory_space<vmem>> -> memref<40xi32, #tpu.memory_space<vmem>>
        %dma_wait3A_170 = arith.constant 0 : i32
        %dma_wait3A_171 = arith.constant 0 : i32
        %dma_wait3A_172 = tpu.memref_slice %arg2[%dma_wait3A_170, %dma_wait3A_171] : memref<10112x128xf32, #tpu.memory_space<hbm>> -> memref<10112x128xf32, #tpu.memory_space<hbm>>
        tpu.wait_indirect_dma semaphore(%arg16 : memref<!tpu.dma_semaphore, #tpu.memory_space<semaphore_mem>>) src(%dma_wait3A_172 : memref<10112x128xf32, #tpu.memory_space<hbm>>) dst(%arg11 : memref<40x128xf32, #tpu.memory_space<vmem>>)
        %add3A_173 = arith.constant 2 : i32
        %add3A_174 = arith.addi %mul3A_135, %add3A_173 : i32
        %dma_start3A_175 = arith.constant 0 : i32
        %dma_start3A_176 = tpu.memref_slice %arg8[%add3A_174, %dma_start3A_175] : memref<32x40xi32, #tpu.memory_space<vmem>> -> memref<1x40xi32, #tpu.memory_space<vmem>>
        %dma_start3A_177 = tpu.memref_squeeze %dma_start3A_176 : memref<1x40xi32, #tpu.memory_space<vmem>> -> memref<40xi32, #tpu.memory_space<vmem>>
        %dma_start3A_178 = arith.constant 0 : i32
        %dma_start3A_179 = arith.constant 0 : i32
        %dma_start3A_180 = tpu.memref_slice %arg13[%dma_start3A_178, %dma_start3A_179] : memref<10112x128xf32, #tpu.memory_space<vmem_shared>> -> memref<10112x128xf32, #tpu.memory_space<vmem_shared>>
        tpu.enqueue_indirect_dma source(%arg11 : memref<40x128xf32, #tpu.memory_space<vmem>>) target(%dma_start3A_180 : memref<10112x128xf32, #tpu.memory_space<vmem_shared>>) offsets(%dma_start3A_177 : memref<40xi32, #tpu.memory_space<vmem>>) semaphore(%arg20 : memref<!tpu.dma_semaphore, #tpu.memory_space<semaphore_mem>>) {add = true}
        %dma_wait3A_181 = arith.constant 0 : i32
        %dma_wait3A_182 = arith.constant 0 : i32
        %dma_wait3A_183 = tpu.memref_slice %arg7[%dma_wait3A_181, %dma_wait3A_182] : memref<32x40xi32, #tpu.memory_space<vmem>> -> memref<1x40xi32, #tpu.memory_space<vmem>>
        %dma_wait3A_184 = tpu.memref_squeeze %dma_wait3A_183 : memref<1x40xi32, #tpu.memory_space<vmem>> -> memref<40xi32, #tpu.memory_space<vmem>>
        %dma_wait3A_185 = arith.constant 0 : i32
        %dma_wait3A_186 = arith.constant 0 : i32
        %dma_wait3A_187 = tpu.memref_slice %arg2[%dma_wait3A_185, %dma_wait3A_186] : memref<10112x128xf32, #tpu.memory_space<hbm>> -> memref<10112x128xf32, #tpu.memory_space<hbm>>
        tpu.wait_indirect_dma semaphore(%arg17 : memref<!tpu.dma_semaphore, #tpu.memory_space<semaphore_mem>>) src(%dma_wait3A_187 : memref<10112x128xf32, #tpu.memory_space<hbm>>) dst(%arg12 : memref<40x128xf32, #tpu.memory_space<vmem>>)
        %add3A_188 = arith.constant 3 : i32
        %add3A_189 = arith.addi %mul3A_135, %add3A_188 : i32
        %dma_start3A_190 = arith.constant 0 : i32
        %dma_start3A_191 = tpu.memref_slice %arg8[%add3A_189, %dma_start3A_190] : memref<32x40xi32, #tpu.memory_space<vmem>> -> memref<1x40xi32, #tpu.memory_space<vmem>>
        %dma_start3A_192 = tpu.memref_squeeze %dma_start3A_191 : memref<1x40xi32, #tpu.memory_space<vmem>> -> memref<40xi32, #tpu.memory_space<vmem>>
        %dma_start3A_193 = arith.constant 0 : i32
        %dma_start3A_194 = arith.constant 0 : i32
        %dma_start3A_195 = tpu.memref_slice %arg13[%dma_start3A_193, %dma_start3A_194] : memref<10112x128xf32, #tpu.memory_space<vmem_shared>> -> memref<10112x128xf32, #tpu.memory_space<vmem_shared>>
        tpu.enqueue_indirect_dma source(%arg12 : memref<40x128xf32, #tpu.memory_space<vmem>>) target(%dma_start3A_195 : memref<10112x128xf32, #tpu.memory_space<vmem_shared>>) offsets(%dma_start3A_192 : memref<40xi32, #tpu.memory_space<vmem>>) semaphore(%arg21 : memref<!tpu.dma_semaphore, #tpu.memory_space<semaphore_mem>>) {add = true}
        %dma_wait3A_196 = arith.constant 0 : i32
        %dma_wait3A_197 = arith.constant 0 : i32
        %dma_wait3A_198 = tpu.memref_slice %arg8[%dma_wait3A_196, %dma_wait3A_197] : memref<32x40xi32, #tpu.memory_space<vmem>> -> memref<1x40xi32, #tpu.memory_space<vmem>>
        %dma_wait3A_199 = tpu.memref_squeeze %dma_wait3A_198 : memref<1x40xi32, #tpu.memory_space<vmem>> -> memref<40xi32, #tpu.memory_space<vmem>>
        %dma_wait3A_200 = arith.constant 0 : i32
        %dma_wait3A_201 = arith.constant 0 : i32
        %dma_wait3A_202 = tpu.memref_slice %arg13[%dma_wait3A_200, %dma_wait3A_201] : memref<10112x128xf32, #tpu.memory_space<vmem_shared>> -> memref<10112x128xf32, #tpu.memory_space<vmem_shared>>
        tpu.wait_indirect_dma semaphore(%arg18 : memref<!tpu.dma_semaphore, #tpu.memory_space<semaphore_mem>>) src(%arg9 : memref<40x128xf32, #tpu.memory_space<vmem>>) dst(%dma_wait3A_202 : memref<10112x128xf32, #tpu.memory_space<vmem_shared>>)
        %add3A_203 = arith.constant 4 : i32
        %add3A_204 = arith.addi %mul3A_135, %add3A_203 : i32
        %add3A_205 = arith.constant 0 : i32
        %add3A_206 = arith.addi %add3A_204, %add3A_205 : i32
        %dma_start3A_207 = arith.constant 0 : i32
        %dma_start3A_208 = tpu.memref_slice %arg7[%add3A_206, %dma_start3A_207] : memref<32x40xi32, #tpu.memory_space<vmem>> -> memref<1x40xi32, #tpu.memory_space<vmem>>
        %dma_start3A_209 = tpu.memref_squeeze %dma_start3A_208 : memref<1x40xi32, #tpu.memory_space<vmem>> -> memref<40xi32, #tpu.memory_space<vmem>>
        %dma_start3A_210 = arith.constant 0 : i32
        %dma_start3A_211 = arith.constant 0 : i32
        %dma_start3A_212 = tpu.memref_slice %arg2[%dma_start3A_210, %dma_start3A_211] : memref<10112x128xf32, #tpu.memory_space<hbm>> -> memref<10112x128xf32, #tpu.memory_space<hbm>>
        tpu.enqueue_indirect_dma source(%dma_start3A_212 : memref<10112x128xf32, #tpu.memory_space<hbm>>) target(%arg9 : memref<40x128xf32, #tpu.memory_space<vmem>>) offsets(%dma_start3A_209 : memref<40xi32, #tpu.memory_space<vmem>>) semaphore(%arg14 : memref<!tpu.dma_semaphore, #tpu.memory_space<semaphore_mem>>)
        %dma_wait3A_213 = arith.constant 0 : i32
        %dma_wait3A_214 = arith.constant 0 : i32
        %dma_wait3A_215 = tpu.memref_slice %arg8[%dma_wait3A_213, %dma_wait3A_214] : memref<32x40xi32, #tpu.memory_space<vmem>> -> memref<1x40xi32, #tpu.memory_space<vmem>>
        %dma_wait3A_216 = tpu.memref_squeeze %dma_wait3A_215 : memref<1x40xi32, #tpu.memory_space<vmem>> -> memref<40xi32, #tpu.memory_space<vmem>>
        %dma_wait3A_217 = arith.constant 0 : i32
        %dma_wait3A_218 = arith.constant 0 : i32
        %dma_wait3A_219 = tpu.memref_slice %arg13[%dma_wait3A_217, %dma_wait3A_218] : memref<10112x128xf32, #tpu.memory_space<vmem_shared>> -> memref<10112x128xf32, #tpu.memory_space<vmem_shared>>
        tpu.wait_indirect_dma semaphore(%arg19 : memref<!tpu.dma_semaphore, #tpu.memory_space<semaphore_mem>>) src(%arg10 : memref<40x128xf32, #tpu.memory_space<vmem>>) dst(%dma_wait3A_219 : memref<10112x128xf32, #tpu.memory_space<vmem_shared>>)
        %add3A_220 = arith.constant 4 : i32
        %add3A_221 = arith.addi %mul3A_135, %add3A_220 : i32
        %add3A_222 = arith.constant 1 : i32
        %add3A_223 = arith.addi %add3A_221, %add3A_222 : i32
        %dma_start3A_224 = arith.constant 0 : i32
        %dma_start3A_225 = tpu.memref_slice %arg7[%add3A_223, %dma_start3A_224] : memref<32x40xi32, #tpu.memory_space<vmem>> -> memref<1x40xi32, #tpu.memory_space<vmem>>
        %dma_start3A_226 = tpu.memref_squeeze %dma_start3A_225 : memref<1x40xi32, #tpu.memory_space<vmem>> -> memref<40xi32, #tpu.memory_space<vmem>>
        %dma_start3A_227 = arith.constant 0 : i32
        %dma_start3A_228 = arith.constant 0 : i32
        %dma_start3A_229 = tpu.memref_slice %arg2[%dma_start3A_227, %dma_start3A_228] : memref<10112x128xf32, #tpu.memory_space<hbm>> -> memref<10112x128xf32, #tpu.memory_space<hbm>>
        tpu.enqueue_indirect_dma source(%dma_start3A_229 : memref<10112x128xf32, #tpu.memory_space<hbm>>) target(%arg10 : memref<40x128xf32, #tpu.memory_space<vmem>>) offsets(%dma_start3A_226 : memref<40xi32, #tpu.memory_space<vmem>>) semaphore(%arg15 : memref<!tpu.dma_semaphore, #tpu.memory_space<semaphore_mem>>)
        %dma_wait3A_230 = arith.constant 0 : i32
        %dma_wait3A_231 = arith.constant 0 : i32
        %dma_wait3A_232 = tpu.memref_slice %arg8[%dma_wait3A_230, %dma_wait3A_231] : memref<32x40xi32, #tpu.memory_space<vmem>> -> memref<1x40xi32, #tpu.memory_space<vmem>>
        %dma_wait3A_233 = tpu.memref_squeeze %dma_wait3A_232 : memref<1x40xi32, #tpu.memory_space<vmem>> -> memref<40xi32, #tpu.memory_space<vmem>>
        %dma_wait3A_234 = arith.constant 0 : i32
        %dma_wait3A_235 = arith.constant 0 : i32
        %dma_wait3A_236 = tpu.memref_slice %arg13[%dma_wait3A_234, %dma_wait3A_235] : memref<10112x128xf32, #tpu.memory_space<vmem_shared>> -> memref<10112x128xf32, #tpu.memory_space<vmem_shared>>
        tpu.wait_indirect_dma semaphore(%arg20 : memref<!tpu.dma_semaphore, #tpu.memory_space<semaphore_mem>>) src(%arg11 : memref<40x128xf32, #tpu.memory_space<vmem>>) dst(%dma_wait3A_236 : memref<10112x128xf32, #tpu.memory_space<vmem_shared>>)
        %add3A_237 = arith.constant 4 : i32
        %add3A_238 = arith.addi %mul3A_135, %add3A_237 : i32
        %add3A_239 = arith.constant 2 : i32
        %add3A_240 = arith.addi %add3A_238, %add3A_239 : i32
        %dma_start3A_241 = arith.constant 0 : i32
        %dma_start3A_242 = tpu.memref_slice %arg7[%add3A_240, %dma_start3A_241] : memref<32x40xi32, #tpu.memory_space<vmem>> -> memref<1x40xi32, #tpu.memory_space<vmem>>
        %dma_start3A_243 = tpu.memref_squeeze %dma_start3A_242 : memref<1x40xi32, #tpu.memory_space<vmem>> -> memref<40xi32, #tpu.memory_space<vmem>>
        %dma_start3A_244 = arith.constant 0 : i32
        %dma_start3A_245 = arith.constant 0 : i32
        %dma_start3A_246 = tpu.memref_slice %arg2[%dma_start3A_244, %dma_start3A_245] : memref<10112x128xf32, #tpu.memory_space<hbm>> -> memref<10112x128xf32, #tpu.memory_space<hbm>>
        tpu.enqueue_indirect_dma source(%dma_start3A_246 : memref<10112x128xf32, #tpu.memory_space<hbm>>) target(%arg11 : memref<40x128xf32, #tpu.memory_space<vmem>>) offsets(%dma_start3A_243 : memref<40xi32, #tpu.memory_space<vmem>>) semaphore(%arg16 : memref<!tpu.dma_semaphore, #tpu.memory_space<semaphore_mem>>)
        %dma_wait3A_247 = arith.constant 0 : i32
        %dma_wait3A_248 = arith.constant 0 : i32
        %dma_wait3A_249 = tpu.memref_slice %arg8[%dma_wait3A_247, %dma_wait3A_248] : memref<32x40xi32, #tpu.memory_space<vmem>> -> memref<1x40xi32, #tpu.memory_space<vmem>>
        %dma_wait3A_250 = tpu.memref_squeeze %dma_wait3A_249 : memref<1x40xi32, #tpu.memory_space<vmem>> -> memref<40xi32, #tpu.memory_space<vmem>>
        %dma_wait3A_251 = arith.constant 0 : i32
        %dma_wait3A_252 = arith.constant 0 : i32
        %dma_wait3A_253 = tpu.memref_slice %arg13[%dma_wait3A_251, %dma_wait3A_252] : memref<10112x128xf32, #tpu.memory_space<vmem_shared>> -> memref<10112x128xf32, #tpu.memory_space<vmem_shared>>
        tpu.wait_indirect_dma semaphore(%arg21 : memref<!tpu.dma_semaphore, #tpu.memory_space<semaphore_mem>>) src(%arg12 : memref<40x128xf32, #tpu.memory_space<vmem>>) dst(%dma_wait3A_253 : memref<10112x128xf32, #tpu.memory_space<vmem_shared>>)
        %add3A_254 = arith.constant 4 : i32
        %add3A_255 = arith.addi %mul3A_135, %add3A_254 : i32
        %add3A_256 = arith.constant 3 : i32
        %add3A_257 = arith.addi %add3A_255, %add3A_256 : i32
        %dma_start3A_258 = arith.constant 0 : i32
        %dma_start3A_259 = tpu.memref_slice %arg7[%add3A_257, %dma_start3A_258] : memref<32x40xi32, #tpu.memory_space<vmem>> -> memref<1x40xi32, #tpu.memory_space<vmem>>
        %dma_start3A_260 = tpu.memref_squeeze %dma_start3A_259 : memref<1x40xi32, #tpu.memory_space<vmem>> -> memref<40xi32, #tpu.memory_space<vmem>>
        %dma_start3A_261 = arith.constant 0 : i32
        %dma_start3A_262 = arith.constant 0 : i32
        %dma_start3A_263 = tpu.memref_slice %arg2[%dma_start3A_261, %dma_start3A_262] : memref<10112x128xf32, #tpu.memory_space<hbm>> -> memref<10112x128xf32, #tpu.memory_space<hbm>>
        tpu.enqueue_indirect_dma source(%dma_start3A_263 : memref<10112x128xf32, #tpu.memory_space<hbm>>) target(%arg12 : memref<40x128xf32, #tpu.memory_space<vmem>>) offsets(%dma_start3A_260 : memref<40xi32, #tpu.memory_space<vmem>>) semaphore(%arg17 : memref<!tpu.dma_semaphore, #tpu.memory_space<semaphore_mem>>)
      }
      %scan3A_49 = arith.constant 7 : i32
      %dma_wait3A = arith.constant 0 : i32
      %dma_wait3A_50 = arith.constant 0 : i32
      %dma_wait3A_51 = tpu.memref_slice %arg7[%dma_wait3A, %dma_wait3A_50] : memref<32x40xi32, #tpu.memory_space<vmem>> -> memref<1x40xi32, #tpu.memory_space<vmem>>
      %dma_wait3A_52 = tpu.memref_squeeze %dma_wait3A_51 : memref<1x40xi32, #tpu.memory_space<vmem>> -> memref<40xi32, #tpu.memory_space<vmem>>
      %dma_wait3A_53 = arith.constant 0 : i32
      %dma_wait3A_54 = arith.constant 0 : i32
      %dma_wait3A_55 = tpu.memref_slice %arg2[%dma_wait3A_53, %dma_wait3A_54] : memref<10112x128xf32, #tpu.memory_space<hbm>> -> memref<10112x128xf32, #tpu.memory_space<hbm>>
      tpu.wait_indirect_dma semaphore(%arg14 : memref<!tpu.dma_semaphore, #tpu.memory_space<semaphore_mem>>) src(%dma_wait3A_55 : memref<10112x128xf32, #tpu.memory_space<hbm>>) dst(%arg9 : memref<40x128xf32, #tpu.memory_space<vmem>>)
      %dma_start3A_56 = arith.constant 28 : i32
      %dma_start3A_57 = arith.constant 0 : i32
      %dma_start3A_58 = tpu.memref_slice %arg8[%dma_start3A_56, %dma_start3A_57] : memref<32x40xi32, #tpu.memory_space<vmem>> -> memref<1x40xi32, #tpu.memory_space<vmem>>
      %dma_start3A_59 = tpu.memref_squeeze %dma_start3A_58 : memref<1x40xi32, #tpu.memory_space<vmem>> -> memref<40xi32, #tpu.memory_space<vmem>>
      %dma_start3A_60 = arith.constant 0 : i32
      %dma_start3A_61 = arith.constant 0 : i32
      %dma_start3A_62 = tpu.memref_slice %arg13[%dma_start3A_60, %dma_start3A_61] : memref<10112x128xf32, #tpu.memory_space<vmem_shared>> -> memref<10112x128xf32, #tpu.memory_space<vmem_shared>>
      tpu.enqueue_indirect_dma source(%arg9 : memref<40x128xf32, #tpu.memory_space<vmem>>) target(%dma_start3A_62 : memref<10112x128xf32, #tpu.memory_space<vmem_shared>>) offsets(%dma_start3A_59 : memref<40xi32, #tpu.memory_space<vmem>>) semaphore(%arg18 : memref<!tpu.dma_semaphore, #tpu.memory_space<semaphore_mem>>) {add = true}
      %dma_wait3A_63 = arith.constant 0 : i32
      %dma_wait3A_64 = arith.constant 0 : i32
      %dma_wait3A_65 = tpu.memref_slice %arg7[%dma_wait3A_63, %dma_wait3A_64] : memref<32x40xi32, #tpu.memory_space<vmem>> -> memref<1x40xi32, #tpu.memory_space<vmem>>
      %dma_wait3A_66 = tpu.memref_squeeze %dma_wait3A_65 : memref<1x40xi32, #tpu.memory_space<vmem>> -> memref<40xi32, #tpu.memory_space<vmem>>
      %dma_wait3A_67 = arith.constant 0 : i32
      %dma_wait3A_68 = arith.constant 0 : i32
      %dma_wait3A_69 = tpu.memref_slice %arg2[%dma_wait3A_67, %dma_wait3A_68] : memref<10112x128xf32, #tpu.memory_space<hbm>> -> memref<10112x128xf32, #tpu.memory_space<hbm>>
      tpu.wait_indirect_dma semaphore(%arg15 : memref<!tpu.dma_semaphore, #tpu.memory_space<semaphore_mem>>) src(%dma_wait3A_69 : memref<10112x128xf32, #tpu.memory_space<hbm>>) dst(%arg10 : memref<40x128xf32, #tpu.memory_space<vmem>>)
      %dma_start3A_70 = arith.constant 29 : i32
      %dma_start3A_71 = arith.constant 0 : i32
      %dma_start3A_72 = tpu.memref_slice %arg8[%dma_start3A_70, %dma_start3A_71] : memref<32x40xi32, #tpu.memory_space<vmem>> -> memref<1x40xi32, #tpu.memory_space<vmem>>
      %dma_start3A_73 = tpu.memref_squeeze %dma_start3A_72 : memref<1x40xi32, #tpu.memory_space<vmem>> -> memref<40xi32, #tpu.memory_space<vmem>>
      %dma_start3A_74 = arith.constant 0 : i32
      %dma_start3A_75 = arith.constant 0 : i32
      %dma_start3A_76 = tpu.memref_slice %arg13[%dma_start3A_74, %dma_start3A_75] : memref<10112x128xf32, #tpu.memory_space<vmem_shared>> -> memref<10112x128xf32, #tpu.memory_space<vmem_shared>>
      tpu.enqueue_indirect_dma source(%arg10 : memref<40x128xf32, #tpu.memory_space<vmem>>) target(%dma_start3A_76 : memref<10112x128xf32, #tpu.memory_space<vmem_shared>>) offsets(%dma_start3A_73 : memref<40xi32, #tpu.memory_space<vmem>>) semaphore(%arg19 : memref<!tpu.dma_semaphore, #tpu.memory_space<semaphore_mem>>) {add = true}
      %dma_wait3A_77 = arith.constant 0 : i32
      %dma_wait3A_78 = arith.constant 0 : i32
      %dma_wait3A_79 = tpu.memref_slice %arg7[%dma_wait3A_77, %dma_wait3A_78] : memref<32x40xi32, #tpu.memory_space<vmem>> -> memref<1x40xi32, #tpu.memory_space<vmem>>
      %dma_wait3A_80 = tpu.memref_squeeze %dma_wait3A_79 : memref<1x40xi32, #tpu.memory_space<vmem>> -> memref<40xi32, #tpu.memory_space<vmem>>
      %dma_wait3A_81 = arith.constant 0 : i32
      %dma_wait3A_82 = arith.constant 0 : i32
      %dma_wait3A_83 = tpu.memref_slice %arg2[%dma_wait3A_81, %dma_wait3A_82] : memref<10112x128xf32, #tpu.memory_space<hbm>> -> memref<10112x128xf32, #tpu.memory_space<hbm>>
      tpu.wait_indirect_dma semaphore(%arg16 : memref<!tpu.dma_semaphore, #tpu.memory_space<semaphore_mem>>) src(%dma_wait3A_83 : memref<10112x128xf32, #tpu.memory_space<hbm>>) dst(%arg11 : memref<40x128xf32, #tpu.memory_space<vmem>>)
      %dma_start3A_84 = arith.constant 30 : i32
      %dma_start3A_85 = arith.constant 0 : i32
      %dma_start3A_86 = tpu.memref_slice %arg8[%dma_start3A_84, %dma_start3A_85] : memref<32x40xi32, #tpu.memory_space<vmem>> -> memref<1x40xi32, #tpu.memory_space<vmem>>
      %dma_start3A_87 = tpu.memref_squeeze %dma_start3A_86 : memref<1x40xi32, #tpu.memory_space<vmem>> -> memref<40xi32, #tpu.memory_space<vmem>>
      %dma_start3A_88 = arith.constant 0 : i32
      %dma_start3A_89 = arith.constant 0 : i32
      %dma_start3A_90 = tpu.memref_slice %arg13[%dma_start3A_88, %dma_start3A_89] : memref<10112x128xf32, #tpu.memory_space<vmem_shared>> -> memref<10112x128xf32, #tpu.memory_space<vmem_shared>>
      tpu.enqueue_indirect_dma source(%arg11 : memref<40x128xf32, #tpu.memory_space<vmem>>) target(%dma_start3A_90 : memref<10112x128xf32, #tpu.memory_space<vmem_shared>>) offsets(%dma_start3A_87 : memref<40xi32, #tpu.memory_space<vmem>>) semaphore(%arg20 : memref<!tpu.dma_semaphore, #tpu.memory_space<semaphore_mem>>) {add = true}
      %dma_wait3A_91 = arith.constant 0 : i32
      %dma_wait3A_92 = arith.constant 0 : i32
      %dma_wait3A_93 = tpu.memref_slice %arg7[%dma_wait3A_91, %dma_wait3A_92] : memref<32x40xi32, #tpu.memory_space<vmem>> -> memref<1x40xi32, #tpu.memory_space<vmem>>
      %dma_wait3A_94 = tpu.memref_squeeze %dma_wait3A_93 : memref<1x40xi32, #tpu.memory_space<vmem>> -> memref<40xi32, #tpu.memory_space<vmem>>
      %dma_wait3A_95 = arith.constant 0 : i32
      %dma_wait3A_96 = arith.constant 0 : i32
      %dma_wait3A_97 = tpu.memref_slice %arg2[%dma_wait3A_95, %dma_wait3A_96] : memref<10112x128xf32, #tpu.memory_space<hbm>> -> memref<10112x128xf32, #tpu.memory_space<hbm>>
      tpu.wait_indirect_dma semaphore(%arg17 : memref<!tpu.dma_semaphore, #tpu.memory_space<semaphore_mem>>) src(%dma_wait3A_97 : memref<10112x128xf32, #tpu.memory_space<hbm>>) dst(%arg12 : memref<40x128xf32, #tpu.memory_space<vmem>>)
      %dma_start3A_98 = arith.constant 31 : i32
      %dma_start3A_99 = arith.constant 0 : i32
      %dma_start3A_100 = tpu.memref_slice %arg8[%dma_start3A_98, %dma_start3A_99] : memref<32x40xi32, #tpu.memory_space<vmem>> -> memref<1x40xi32, #tpu.memory_space<vmem>>
      %dma_start3A_101 = tpu.memref_squeeze %dma_start3A_100 : memref<1x40xi32, #tpu.memory_space<vmem>> -> memref<40xi32, #tpu.memory_space<vmem>>
      %dma_start3A_102 = arith.constant 0 : i32
      %dma_start3A_103 = arith.constant 0 : i32
      %dma_start3A_104 = tpu.memref_slice %arg13[%dma_start3A_102, %dma_start3A_103] : memref<10112x128xf32, #tpu.memory_space<vmem_shared>> -> memref<10112x128xf32, #tpu.memory_space<vmem_shared>>
      tpu.enqueue_indirect_dma source(%arg12 : memref<40x128xf32, #tpu.memory_space<vmem>>) target(%dma_start3A_104 : memref<10112x128xf32, #tpu.memory_space<vmem_shared>>) offsets(%dma_start3A_101 : memref<40xi32, #tpu.memory_space<vmem>>) semaphore(%arg21 : memref<!tpu.dma_semaphore, #tpu.memory_space<semaphore_mem>>) {add = true}
      %dma_wait3A_105 = arith.constant 0 : i32
      %dma_wait3A_106 = arith.constant 0 : i32
      %dma_wait3A_107 = tpu.memref_slice %arg8[%dma_wait3A_105, %dma_wait3A_106] : memref<32x40xi32, #tpu.memory_space<vmem>> -> memref<1x40xi32, #tpu.memory_space<vmem>>
      %dma_wait3A_108 = tpu.memref_squeeze %dma_wait3A_107 : memref<1x40xi32, #tpu.memory_space<vmem>> -> memref<40xi32, #tpu.memory_space<vmem>>
      %dma_wait3A_109 = arith.constant 0 : i32
      %dma_wait3A_110 = arith.constant 0 : i32
      %dma_wait3A_111 = tpu.memref_slice %arg13[%dma_wait3A_109, %dma_wait3A_110] : memref<10112x128xf32, #tpu.memory_space<vmem_shared>> -> memref<10112x128xf32, #tpu.memory_space<vmem_shared>>
      tpu.wait_indirect_dma semaphore(%arg18 : memref<!tpu.dma_semaphore, #tpu.memory_space<semaphore_mem>>) src(%arg9 : memref<40x128xf32, #tpu.memory_space<vmem>>) dst(%dma_wait3A_111 : memref<10112x128xf32, #tpu.memory_space<vmem_shared>>)
      %dma_wait3A_112 = arith.constant 0 : i32
      %dma_wait3A_113 = arith.constant 0 : i32
      %dma_wait3A_114 = tpu.memref_slice %arg8[%dma_wait3A_112, %dma_wait3A_113] : memref<32x40xi32, #tpu.memory_space<vmem>> -> memref<1x40xi32, #tpu.memory_space<vmem>>
      %dma_wait3A_115 = tpu.memref_squeeze %dma_wait3A_114 : memref<1x40xi32, #tpu.memory_space<vmem>> -> memref<40xi32, #tpu.memory_space<vmem>>
      %dma_wait3A_116 = arith.constant 0 : i32
      %dma_wait3A_117 = arith.constant 0 : i32
      %dma_wait3A_118 = tpu.memref_slice %arg13[%dma_wait3A_116, %dma_wait3A_117] : memref<10112x128xf32, #tpu.memory_space<vmem_shared>> -> memref<10112x128xf32, #tpu.memory_space<vmem_shared>>
      tpu.wait_indirect_dma semaphore(%arg19 : memref<!tpu.dma_semaphore, #tpu.memory_space<semaphore_mem>>) src(%arg10 : memref<40x128xf32, #tpu.memory_space<vmem>>) dst(%dma_wait3A_118 : memref<10112x128xf32, #tpu.memory_space<vmem_shared>>)
      %dma_wait3A_119 = arith.constant 0 : i32
      %dma_wait3A_120 = arith.constant 0 : i32
      %dma_wait3A_121 = tpu.memref_slice %arg8[%dma_wait3A_119, %dma_wait3A_120] : memref<32x40xi32, #tpu.memory_space<vmem>> -> memref<1x40xi32, #tpu.memory_space<vmem>>
      %dma_wait3A_122 = tpu.memref_squeeze %dma_wait3A_121 : memref<1x40xi32, #tpu.memory_space<vmem>> -> memref<40xi32, #tpu.memory_space<vmem>>
      %dma_wait3A_123 = arith.constant 0 : i32
      %dma_wait3A_124 = arith.constant 0 : i32
      %dma_wait3A_125 = tpu.memref_slice %arg13[%dma_wait3A_123, %dma_wait3A_124] : memref<10112x128xf32, #tpu.memory_space<vmem_shared>> -> memref<10112x128xf32, #tpu.memory_space<vmem_shared>>
      tpu.wait_indirect_dma semaphore(%arg20 : memref<!tpu.dma_semaphore, #tpu.memory_space<semaphore_mem>>) src(%arg11 : memref<40x128xf32, #tpu.memory_space<vmem>>) dst(%dma_wait3A_125 : memref<10112x128xf32, #tpu.memory_space<vmem_shared>>)
      %dma_wait3A_126 = arith.constant 0 : i32
      %dma_wait3A_127 = arith.constant 0 : i32
      %dma_wait3A_128 = tpu.memref_slice %arg8[%dma_wait3A_126, %dma_wait3A_127] : memref<32x40xi32, #tpu.memory_space<vmem>> -> memref<1x40xi32, #tpu.memory_space<vmem>>
      %dma_wait3A_129 = tpu.memref_squeeze %dma_wait3A_128 : memref<1x40xi32, #tpu.memory_space<vmem>> -> memref<40xi32, #tpu.memory_space<vmem>>
      %dma_wait3A_130 = arith.constant 0 : i32
      %dma_wait3A_131 = arith.constant 0 : i32
      %dma_wait3A_132 = tpu.memref_slice %arg13[%dma_wait3A_130, %dma_wait3A_131] : memref<10112x128xf32, #tpu.memory_space<vmem_shared>> -> memref<10112x128xf32, #tpu.memory_space<vmem_shared>>
      tpu.wait_indirect_dma semaphore(%arg21 : memref<!tpu.dma_semaphore, #tpu.memory_space<semaphore_mem>>) src(%arg12 : memref<40x128xf32, #tpu.memory_space<vmem>>) dst(%dma_wait3A_132 : memref<10112x128xf32, #tpu.memory_space<vmem_shared>>)
    }
    %scan3A_7 = arith.constant 8 : i32
    %barrier3A_8 = arith.constant 0 : index
    tpu.barrier barrier_id(%barrier3A_8)
    %mul3A_9 = arith.constant 10112 : i32
    %mul3A_10 = arith.muli %arg0, %mul3A_9 : i32
    %add3A_11 = arith.addi %mul3A_10, %mul3A_2 : i32
    "tpu.region"() ({
      %run_scoped3A = tpu.sem_alloc : memref<!tpu.dma_semaphore, #tpu.memory_space<semaphore_mem>>
      %dma_start3A = arith.constant 0 : i32
      %dma_start3A_12 = tpu.memref_slice %arg6[%add3A_11, %dma_start3A] : memref<20224x128xf32, #tpu.memory_space<hbm>> -> memref<632x128xf32, #tpu.memory_space<hbm>>
      %dma_start3A_13 = arith.constant 0 : i32
      %dma_start3A_14 = tpu.memref_slice %arg13[%mul3A_2, %dma_start3A_13] : memref<10112x128xf32, #tpu.memory_space<vmem_shared>> -> memref<632x128xf32, #tpu.memory_space<vmem_shared>>
      tpu.enqueue_dma source(%dma_start3A_14 : memref<632x128xf32, #tpu.memory_space<vmem_shared>>) target(%dma_start3A_12 : memref<632x128xf32, #tpu.memory_space<hbm>>) target_semaphore(%run_scoped3A : memref<!tpu.dma_semaphore, #tpu.memory_space<semaphore_mem>>)
      %dma_wait3A = arith.constant 0 : i32
      %dma_wait3A_15 = tpu.memref_slice %arg6[%add3A_11, %dma_wait3A] : memref<20224x128xf32, #tpu.memory_space<hbm>> -> memref<632x128xf32, #tpu.memory_space<hbm>>
      %dma_wait3A_16 = arith.constant 0 : i32
      %dma_wait3A_17 = tpu.memref_slice %arg13[%mul3A_2, %dma_wait3A_16] : memref<10112x128xf32, #tpu.memory_space<vmem_shared>> -> memref<632x128xf32, #tpu.memory_space<vmem_shared>>
      tpu.wait_dma2 semaphore(%run_scoped3A : memref<!tpu.dma_semaphore, #tpu.memory_space<semaphore_mem>>) src(%dma_wait3A_17 : memref<632x128xf32, #tpu.memory_space<vmem_shared>>) dst(%dma_wait3A_15 : memref<632x128xf32, #tpu.memory_space<hbm>>)
      tpu.yield
    }) : () -> ()
    return
  }
}

#map = affine_map<(d0, d1) -> (0, 0)>
#map1 = affine_map<(d0, d1) -> (0, 0, 0)>
module attributes {stable_mosaic.version = 14 : i64} {
  func.func @k(%arg0: i32, %arg1: i32, %arg2: memref<10112x144xf32, #tpu.memory_space<hbm>>, %arg3: memref<32x320x32xi32, #tpu.memory_space<hbm>>, %arg4: memref<32x320x32xi32, #tpu.memory_space<hbm>>, %arg5: memref<10112x144xf32, #tpu.memory_space<hbm>>, %arg6: memref<20224x144xf32, #tpu.memory_space<hbm>>, %arg7: memref<16x32xi32, #tpu.memory_space<vmem>>, %arg8: memref<16x32xi32, #tpu.memory_space<vmem>>, %arg9: memref<32x144xf32, #tpu.memory_space<vmem>>, %arg10: memref<32x144xf32, #tpu.memory_space<vmem>>, %arg11: memref<32x144xf32, #tpu.memory_space<vmem>>, %arg12: memref<32x144xf32, #tpu.memory_space<vmem>>, %arg13: memref<10112x144xf32, #tpu.memory_space<vmem_shared>>, %arg14: memref<!tpu.dma_semaphore, #tpu.memory_space<semaphore_mem>>, %arg15: memref<!tpu.dma_semaphore, #tpu.memory_space<semaphore_mem>>, %arg16: memref<!tpu.dma_semaphore, #tpu.memory_space<semaphore_mem>>, %arg17: memref<!tpu.dma_semaphore, #tpu.memory_space<semaphore_mem>>, %arg18: memref<!tpu.dma_semaphore, #tpu.memory_space<semaphore_mem>>, %arg19: memref<!tpu.dma_semaphore, #tpu.memory_space<semaphore_mem>>, %arg20: memref<!tpu.dma_semaphore, #tpu.memory_space<semaphore_mem>>, %arg21: memref<!tpu.dma_semaphore, #tpu.memory_space<semaphore_mem>>) attributes {dimension_semantics = [#tpu.dimension_semantics<core_parallel>, #tpu.dimension_semantics<subcore_parallel>], iteration_bounds = array<i64: 2, 16>, scalar_prefetch = 0 : i64, scratch_operands = 15 : i64, tpu.core_type = #tpu.core_type<sc_vector_subcore>, window_params = [{transform_indices = #map}, {transform_indices = #map1}, {transform_indices = #map1}, {transform_indices = #map}, {transform_indices = #map}]} {
    %mul3A = arith.constant 2 : i32
    %mul3A_0 = arith.muli %arg1, %mul3A : i32
    %add3A = arith.addi %mul3A_0, %arg0 : i32
    %mul3A_1 = arith.constant 632 : i32
    %mul3A_2 = arith.muli %arg1, %mul3A_1 : i32
    "tpu.region"() ({
      %run_scoped3A = tpu.sem_alloc : memref<!tpu.dma_semaphore, #tpu.memory_space<semaphore_mem>>
      %dma_start3A = arith.constant 0 : i32
      %dma_start3A_12 = tpu.memref_slice %arg13[%mul3A_2, %dma_start3A] : memref<10112x144xf32, #tpu.memory_space<vmem_shared>> -> memref<632x144xf32, #tpu.memory_space<vmem_shared>>
      %dma_start3A_13 = arith.constant 0 : i32
      %dma_start3A_14 = tpu.memref_slice %arg5[%mul3A_2, %dma_start3A_13] : memref<10112x144xf32, #tpu.memory_space<hbm>> -> memref<632x144xf32, #tpu.memory_space<hbm>>
      tpu.enqueue_dma source(%dma_start3A_14 : memref<632x144xf32, #tpu.memory_space<hbm>>) target(%dma_start3A_12 : memref<632x144xf32, #tpu.memory_space<vmem_shared>>) target_semaphore(%run_scoped3A : memref<!tpu.dma_semaphore, #tpu.memory_space<semaphore_mem>>)
      %dma_wait3A = arith.constant 0 : i32
      %dma_wait3A_15 = tpu.memref_slice %arg13[%mul3A_2, %dma_wait3A] : memref<10112x144xf32, #tpu.memory_space<vmem_shared>> -> memref<632x144xf32, #tpu.memory_space<vmem_shared>>
      %dma_wait3A_16 = arith.constant 0 : i32
      %dma_wait3A_17 = tpu.memref_slice %arg5[%mul3A_2, %dma_wait3A_16] : memref<10112x144xf32, #tpu.memory_space<hbm>> -> memref<632x144xf32, #tpu.memory_space<hbm>>
      tpu.wait_dma2 semaphore(%run_scoped3A : memref<!tpu.dma_semaphore, #tpu.memory_space<semaphore_mem>>) src(%dma_wait3A_17 : memref<632x144xf32, #tpu.memory_space<hbm>>) dst(%dma_wait3A_15 : memref<632x144xf32, #tpu.memory_space<vmem_shared>>)
      tpu.yield
    }) : () -> ()
    %barrier3A = arith.constant 0 : index
    tpu.barrier barrier_id(%barrier3A)
    %scan3A = arith.constant 0 : i32
    %scan3A_3 = arith.constant 0 : i32
    %scan3A_4 = arith.constant 20 : i32
    %scan3A_5 = arith.addi %scan3A_3, %scan3A_4 : i32
    %scan3A_6 = arith.constant 1 : i32
    scf.for %scan3A_12 = %scan3A_3 to %scan3A_5 step %scan3A_6  : i32 {
      %mul3A_13 = arith.constant 16 : i32
      %mul3A_14 = arith.muli %scan3A_12, %mul3A_13 : i32
      "tpu.region"() ({
        %run_scoped3A = tpu.sem_alloc : memref<!tpu.dma_semaphore, #tpu.memory_space<semaphore_mem>>
        %dma_start3A_133 = arith.constant 0 : i32
        %dma_start3A_134 = tpu.memref_slice %arg3[%add3A, %mul3A_14, %dma_start3A_133] : memref<32x320x32xi32, #tpu.memory_space<hbm>> -> memref<1x16x32xi32, #tpu.memory_space<hbm>>
        %dma_start3A_135 = tpu.memref_squeeze %dma_start3A_134 : memref<1x16x32xi32, #tpu.memory_space<hbm>> -> memref<16x32xi32, #tpu.memory_space<hbm>>
        %dma_start3A_136 = arith.constant 0 : i32
        %dma_start3A_137 = tpu.memref_slice %arg3[%add3A, %mul3A_14, %dma_start3A_136] : memref<32x320x32xi32, #tpu.memory_space<hbm>> -> memref<1x16x32xi32, #tpu.memory_space<hbm>>
        %dma_start3A_138 = tpu.memref_squeeze %dma_start3A_137 : memref<1x16x32xi32, #tpu.memory_space<hbm>> -> memref<16x32xi32, #tpu.memory_space<hbm>>
        tpu.enqueue_dma source(%dma_start3A_138 : memref<16x32xi32, #tpu.memory_space<hbm>>) target(%arg7 : memref<16x32xi32, #tpu.memory_space<vmem>>) target_semaphore(%run_scoped3A : memref<!tpu.dma_semaphore, #tpu.memory_space<semaphore_mem>>)
        %dma_wait3A_139 = arith.constant 0 : i32
        %dma_wait3A_140 = tpu.memref_slice %arg3[%add3A, %mul3A_14, %dma_wait3A_139] : memref<32x320x32xi32, #tpu.memory_space<hbm>> -> memref<1x16x32xi32, #tpu.memory_space<hbm>>
        %dma_wait3A_141 = tpu.memref_squeeze %dma_wait3A_140 : memref<1x16x32xi32, #tpu.memory_space<hbm>> -> memref<16x32xi32, #tpu.memory_space<hbm>>
        %dma_wait3A_142 = arith.constant 0 : i32
        %dma_wait3A_143 = tpu.memref_slice %arg3[%add3A, %mul3A_14, %dma_wait3A_142] : memref<32x320x32xi32, #tpu.memory_space<hbm>> -> memref<1x16x32xi32, #tpu.memory_space<hbm>>
        %dma_wait3A_144 = tpu.memref_squeeze %dma_wait3A_143 : memref<1x16x32xi32, #tpu.memory_space<hbm>> -> memref<16x32xi32, #tpu.memory_space<hbm>>
        tpu.wait_dma2 semaphore(%run_scoped3A : memref<!tpu.dma_semaphore, #tpu.memory_space<semaphore_mem>>) src(%dma_wait3A_144 : memref<16x32xi32, #tpu.memory_space<hbm>>) dst(%arg7 : memref<16x32xi32, #tpu.memory_space<vmem>>)
        tpu.yield
      }) : () -> ()
      %mul3A_15 = arith.constant 16 : i32
      %mul3A_16 = arith.muli %scan3A_12, %mul3A_15 : i32
      "tpu.region"() ({
        %run_scoped3A = tpu.sem_alloc : memref<!tpu.dma_semaphore, #tpu.memory_space<semaphore_mem>>
        %dma_start3A_133 = arith.constant 0 : i32
        %dma_start3A_134 = tpu.memref_slice %arg4[%add3A, %mul3A_16, %dma_start3A_133] : memref<32x320x32xi32, #tpu.memory_space<hbm>> -> memref<1x16x32xi32, #tpu.memory_space<hbm>>
        %dma_start3A_135 = tpu.memref_squeeze %dma_start3A_134 : memref<1x16x32xi32, #tpu.memory_space<hbm>> -> memref<16x32xi32, #tpu.memory_space<hbm>>
        %dma_start3A_136 = arith.constant 0 : i32
        %dma_start3A_137 = tpu.memref_slice %arg4[%add3A, %mul3A_16, %dma_start3A_136] : memref<32x320x32xi32, #tpu.memory_space<hbm>> -> memref<1x16x32xi32, #tpu.memory_space<hbm>>
        %dma_start3A_138 = tpu.memref_squeeze %dma_start3A_137 : memref<1x16x32xi32, #tpu.memory_space<hbm>> -> memref<16x32xi32, #tpu.memory_space<hbm>>
        tpu.enqueue_dma source(%dma_start3A_138 : memref<16x32xi32, #tpu.memory_space<hbm>>) target(%arg8 : memref<16x32xi32, #tpu.memory_space<vmem>>) target_semaphore(%run_scoped3A : memref<!tpu.dma_semaphore, #tpu.memory_space<semaphore_mem>>)
        %dma_wait3A_139 = arith.constant 0 : i32
        %dma_wait3A_140 = tpu.memref_slice %arg4[%add3A, %mul3A_16, %dma_wait3A_139] : memref<32x320x32xi32, #tpu.memory_space<hbm>> -> memref<1x16x32xi32, #tpu.memory_space<hbm>>
        %dma_wait3A_141 = tpu.memref_squeeze %dma_wait3A_140 : memref<1x16x32xi32, #tpu.memory_space<hbm>> -> memref<16x32xi32, #tpu.memory_space<hbm>>
        %dma_wait3A_142 = arith.constant 0 : i32
        %dma_wait3A_143 = tpu.memref_slice %arg4[%add3A, %mul3A_16, %dma_wait3A_142] : memref<32x320x32xi32, #tpu.memory_space<hbm>> -> memref<1x16x32xi32, #tpu.memory_space<hbm>>
        %dma_wait3A_144 = tpu.memref_squeeze %dma_wait3A_143 : memref<1x16x32xi32, #tpu.memory_space<hbm>> -> memref<16x32xi32, #tpu.memory_space<hbm>>
        tpu.wait_dma2 semaphore(%run_scoped3A : memref<!tpu.dma_semaphore, #tpu.memory_space<semaphore_mem>>) src(%dma_wait3A_144 : memref<16x32xi32, #tpu.memory_space<hbm>>) dst(%arg8 : memref<16x32xi32, #tpu.memory_space<vmem>>)
        tpu.yield
      }) : () -> ()
      %dma_start3A = arith.constant 0 : i32
      %dma_start3A_17 = arith.constant 0 : i32
      %dma_start3A_18 = tpu.memref_slice %arg7[%dma_start3A, %dma_start3A_17] : memref<16x32xi32, #tpu.memory_space<vmem>> -> memref<1x32xi32, #tpu.memory_space<vmem>>
      %dma_start3A_19 = tpu.memref_squeeze %dma_start3A_18 : memref<1x32xi32, #tpu.memory_space<vmem>> -> memref<32xi32, #tpu.memory_space<vmem>>
      %dma_start3A_20 = arith.constant 0 : i32
      %dma_start3A_21 = arith.constant 0 : i32
      %dma_start3A_22 = tpu.memref_slice %arg2[%dma_start3A_20, %dma_start3A_21] : memref<10112x144xf32, #tpu.memory_space<hbm>> -> memref<10112x144xf32, #tpu.memory_space<hbm>>
      tpu.enqueue_indirect_dma source(%dma_start3A_22 : memref<10112x144xf32, #tpu.memory_space<hbm>>) target(%arg9 : memref<32x144xf32, #tpu.memory_space<vmem>>) offsets(%dma_start3A_19 : memref<32xi32, #tpu.memory_space<vmem>>) semaphore(%arg14 : memref<!tpu.dma_semaphore, #tpu.memory_space<semaphore_mem>>)
      %dma_start3A_23 = arith.constant 1 : i32
      %dma_start3A_24 = arith.constant 0 : i32
      %dma_start3A_25 = tpu.memref_slice %arg7[%dma_start3A_23, %dma_start3A_24] : memref<16x32xi32, #tpu.memory_space<vmem>> -> memref<1x32xi32, #tpu.memory_space<vmem>>
      %dma_start3A_26 = tpu.memref_squeeze %dma_start3A_25 : memref<1x32xi32, #tpu.memory_space<vmem>> -> memref<32xi32, #tpu.memory_space<vmem>>
      %dma_start3A_27 = arith.constant 0 : i32
      %dma_start3A_28 = arith.constant 0 : i32
      %dma_start3A_29 = tpu.memref_slice %arg2[%dma_start3A_27, %dma_start3A_28] : memref<10112x144xf32, #tpu.memory_space<hbm>> -> memref<10112x144xf32, #tpu.memory_space<hbm>>
      tpu.enqueue_indirect_dma source(%dma_start3A_29 : memref<10112x144xf32, #tpu.memory_space<hbm>>) target(%arg10 : memref<32x144xf32, #tpu.memory_space<vmem>>) offsets(%dma_start3A_26 : memref<32xi32, #tpu.memory_space<vmem>>) semaphore(%arg15 : memref<!tpu.dma_semaphore, #tpu.memory_space<semaphore_mem>>)
      %dma_start3A_30 = arith.constant 2 : i32
      %dma_start3A_31 = arith.constant 0 : i32
      %dma_start3A_32 = tpu.memref_slice %arg7[%dma_start3A_30, %dma_start3A_31] : memref<16x32xi32, #tpu.memory_space<vmem>> -> memref<1x32xi32, #tpu.memory_space<vmem>>
      %dma_start3A_33 = tpu.memref_squeeze %dma_start3A_32 : memref<1x32xi32, #tpu.memory_space<vmem>> -> memref<32xi32, #tpu.memory_space<vmem>>
      %dma_start3A_34 = arith.constant 0 : i32
      %dma_start3A_35 = arith.constant 0 : i32
      %dma_start3A_36 = tpu.memref_slice %arg2[%dma_start3A_34, %dma_start3A_35] : memref<10112x144xf32, #tpu.memory_space<hbm>> -> memref<10112x144xf32, #tpu.memory_space<hbm>>
      tpu.enqueue_indirect_dma source(%dma_start3A_36 : memref<10112x144xf32, #tpu.memory_space<hbm>>) target(%arg11 : memref<32x144xf32, #tpu.memory_space<vmem>>) offsets(%dma_start3A_33 : memref<32xi32, #tpu.memory_space<vmem>>) semaphore(%arg16 : memref<!tpu.dma_semaphore, #tpu.memory_space<semaphore_mem>>)
      %dma_start3A_37 = arith.constant 3 : i32
      %dma_start3A_38 = arith.constant 0 : i32
      %dma_start3A_39 = tpu.memref_slice %arg7[%dma_start3A_37, %dma_start3A_38] : memref<16x32xi32, #tpu.memory_space<vmem>> -> memref<1x32xi32, #tpu.memory_space<vmem>>
      %dma_start3A_40 = tpu.memref_squeeze %dma_start3A_39 : memref<1x32xi32, #tpu.memory_space<vmem>> -> memref<32xi32, #tpu.memory_space<vmem>>
      %dma_start3A_41 = arith.constant 0 : i32
      %dma_start3A_42 = arith.constant 0 : i32
      %dma_start3A_43 = tpu.memref_slice %arg2[%dma_start3A_41, %dma_start3A_42] : memref<10112x144xf32, #tpu.memory_space<hbm>> -> memref<10112x144xf32, #tpu.memory_space<hbm>>
      tpu.enqueue_indirect_dma source(%dma_start3A_43 : memref<10112x144xf32, #tpu.memory_space<hbm>>) target(%arg12 : memref<32x144xf32, #tpu.memory_space<vmem>>) offsets(%dma_start3A_40 : memref<32xi32, #tpu.memory_space<vmem>>) semaphore(%arg17 : memref<!tpu.dma_semaphore, #tpu.memory_space<semaphore_mem>>)
      %scan3A_44 = arith.constant 0 : i32
      %scan3A_45 = arith.constant 0 : i32
      %scan3A_46 = arith.constant 3 : i32
      %scan3A_47 = arith.addi %scan3A_45, %scan3A_46 : i32
      %scan3A_48 = arith.constant 1 : i32
      scf.for %scan3A_133 = %scan3A_45 to %scan3A_47 step %scan3A_48  : i32 {
        %mul3A_134 = arith.constant 4 : i32
        %mul3A_135 = arith.muli %mul3A_134, %scan3A_133 : i32
        %dma_wait3A_136 = arith.constant 0 : i32
        %dma_wait3A_137 = arith.constant 0 : i32
        %dma_wait3A_138 = tpu.memref_slice %arg7[%dma_wait3A_136, %dma_wait3A_137] : memref<16x32xi32, #tpu.memory_space<vmem>> -> memref<1x32xi32, #tpu.memory_space<vmem>>
        %dma_wait3A_139 = tpu.memref_squeeze %dma_wait3A_138 : memref<1x32xi32, #tpu.memory_space<vmem>> -> memref<32xi32, #tpu.memory_space<vmem>>
        %dma_wait3A_140 = arith.constant 0 : i32
        %dma_wait3A_141 = arith.constant 0 : i32
        %dma_wait3A_142 = tpu.memref_slice %arg2[%dma_wait3A_140, %dma_wait3A_141] : memref<10112x144xf32, #tpu.memory_space<hbm>> -> memref<10112x144xf32, #tpu.memory_space<hbm>>
        tpu.wait_indirect_dma semaphore(%arg14 : memref<!tpu.dma_semaphore, #tpu.memory_space<semaphore_mem>>) src(%dma_wait3A_142 : memref<10112x144xf32, #tpu.memory_space<hbm>>) dst(%arg9 : memref<32x144xf32, #tpu.memory_space<vmem>>)
        %add3A_143 = arith.constant 0 : i32
        %add3A_144 = arith.addi %mul3A_135, %add3A_143 : i32
        %dma_start3A_145 = arith.constant 0 : i32
        %dma_start3A_146 = tpu.memref_slice %arg8[%add3A_144, %dma_start3A_145] : memref<16x32xi32, #tpu.memory_space<vmem>> -> memref<1x32xi32, #tpu.memory_space<vmem>>
        %dma_start3A_147 = tpu.memref_squeeze %dma_start3A_146 : memref<1x32xi32, #tpu.memory_space<vmem>> -> memref<32xi32, #tpu.memory_space<vmem>>
        %dma_start3A_148 = arith.constant 0 : i32
        %dma_start3A_149 = arith.constant 0 : i32
        %dma_start3A_150 = tpu.memref_slice %arg13[%dma_start3A_148, %dma_start3A_149] : memref<10112x144xf32, #tpu.memory_space<vmem_shared>> -> memref<10112x144xf32, #tpu.memory_space<vmem_shared>>
        tpu.enqueue_indirect_dma source(%arg9 : memref<32x144xf32, #tpu.memory_space<vmem>>) target(%dma_start3A_150 : memref<10112x144xf32, #tpu.memory_space<vmem_shared>>) offsets(%dma_start3A_147 : memref<32xi32, #tpu.memory_space<vmem>>) semaphore(%arg18 : memref<!tpu.dma_semaphore, #tpu.memory_space<semaphore_mem>>) {add = true}
        %dma_wait3A_151 = arith.constant 0 : i32
        %dma_wait3A_152 = arith.constant 0 : i32
        %dma_wait3A_153 = tpu.memref_slice %arg7[%dma_wait3A_151, %dma_wait3A_152] : memref<16x32xi32, #tpu.memory_space<vmem>> -> memref<1x32xi32, #tpu.memory_space<vmem>>
        %dma_wait3A_154 = tpu.memref_squeeze %dma_wait3A_153 : memref<1x32xi32, #tpu.memory_space<vmem>> -> memref<32xi32, #tpu.memory_space<vmem>>
        %dma_wait3A_155 = arith.constant 0 : i32
        %dma_wait3A_156 = arith.constant 0 : i32
        %dma_wait3A_157 = tpu.memref_slice %arg2[%dma_wait3A_155, %dma_wait3A_156] : memref<10112x144xf32, #tpu.memory_space<hbm>> -> memref<10112x144xf32, #tpu.memory_space<hbm>>
        tpu.wait_indirect_dma semaphore(%arg15 : memref<!tpu.dma_semaphore, #tpu.memory_space<semaphore_mem>>) src(%dma_wait3A_157 : memref<10112x144xf32, #tpu.memory_space<hbm>>) dst(%arg10 : memref<32x144xf32, #tpu.memory_space<vmem>>)
        %add3A_158 = arith.constant 1 : i32
        %add3A_159 = arith.addi %mul3A_135, %add3A_158 : i32
        %dma_start3A_160 = arith.constant 0 : i32
        %dma_start3A_161 = tpu.memref_slice %arg8[%add3A_159, %dma_start3A_160] : memref<16x32xi32, #tpu.memory_space<vmem>> -> memref<1x32xi32, #tpu.memory_space<vmem>>
        %dma_start3A_162 = tpu.memref_squeeze %dma_start3A_161 : memref<1x32xi32, #tpu.memory_space<vmem>> -> memref<32xi32, #tpu.memory_space<vmem>>
        %dma_start3A_163 = arith.constant 0 : i32
        %dma_start3A_164 = arith.constant 0 : i32
        %dma_start3A_165 = tpu.memref_slice %arg13[%dma_start3A_163, %dma_start3A_164] : memref<10112x144xf32, #tpu.memory_space<vmem_shared>> -> memref<10112x144xf32, #tpu.memory_space<vmem_shared>>
        tpu.enqueue_indirect_dma source(%arg10 : memref<32x144xf32, #tpu.memory_space<vmem>>) target(%dma_start3A_165 : memref<10112x144xf32, #tpu.memory_space<vmem_shared>>) offsets(%dma_start3A_162 : memref<32xi32, #tpu.memory_space<vmem>>) semaphore(%arg19 : memref<!tpu.dma_semaphore, #tpu.memory_space<semaphore_mem>>) {add = true}
        %dma_wait3A_166 = arith.constant 0 : i32
        %dma_wait3A_167 = arith.constant 0 : i32
        %dma_wait3A_168 = tpu.memref_slice %arg7[%dma_wait3A_166, %dma_wait3A_167] : memref<16x32xi32, #tpu.memory_space<vmem>> -> memref<1x32xi32, #tpu.memory_space<vmem>>
        %dma_wait3A_169 = tpu.memref_squeeze %dma_wait3A_168 : memref<1x32xi32, #tpu.memory_space<vmem>> -> memref<32xi32, #tpu.memory_space<vmem>>
        %dma_wait3A_170 = arith.constant 0 : i32
        %dma_wait3A_171 = arith.constant 0 : i32
        %dma_wait3A_172 = tpu.memref_slice %arg2[%dma_wait3A_170, %dma_wait3A_171] : memref<10112x144xf32, #tpu.memory_space<hbm>> -> memref<10112x144xf32, #tpu.memory_space<hbm>>
        tpu.wait_indirect_dma semaphore(%arg16 : memref<!tpu.dma_semaphore, #tpu.memory_space<semaphore_mem>>) src(%dma_wait3A_172 : memref<10112x144xf32, #tpu.memory_space<hbm>>) dst(%arg11 : memref<32x144xf32, #tpu.memory_space<vmem>>)
        %add3A_173 = arith.constant 2 : i32
        %add3A_174 = arith.addi %mul3A_135, %add3A_173 : i32
        %dma_start3A_175 = arith.constant 0 : i32
        %dma_start3A_176 = tpu.memref_slice %arg8[%add3A_174, %dma_start3A_175] : memref<16x32xi32, #tpu.memory_space<vmem>> -> memref<1x32xi32, #tpu.memory_space<vmem>>
        %dma_start3A_177 = tpu.memref_squeeze %dma_start3A_176 : memref<1x32xi32, #tpu.memory_space<vmem>> -> memref<32xi32, #tpu.memory_space<vmem>>
        %dma_start3A_178 = arith.constant 0 : i32
        %dma_start3A_179 = arith.constant 0 : i32
        %dma_start3A_180 = tpu.memref_slice %arg13[%dma_start3A_178, %dma_start3A_179] : memref<10112x144xf32, #tpu.memory_space<vmem_shared>> -> memref<10112x144xf32, #tpu.memory_space<vmem_shared>>
        tpu.enqueue_indirect_dma source(%arg11 : memref<32x144xf32, #tpu.memory_space<vmem>>) target(%dma_start3A_180 : memref<10112x144xf32, #tpu.memory_space<vmem_shared>>) offsets(%dma_start3A_177 : memref<32xi32, #tpu.memory_space<vmem>>) semaphore(%arg20 : memref<!tpu.dma_semaphore, #tpu.memory_space<semaphore_mem>>) {add = true}
        %dma_wait3A_181 = arith.constant 0 : i32
        %dma_wait3A_182 = arith.constant 0 : i32
        %dma_wait3A_183 = tpu.memref_slice %arg7[%dma_wait3A_181, %dma_wait3A_182] : memref<16x32xi32, #tpu.memory_space<vmem>> -> memref<1x32xi32, #tpu.memory_space<vmem>>
        %dma_wait3A_184 = tpu.memref_squeeze %dma_wait3A_183 : memref<1x32xi32, #tpu.memory_space<vmem>> -> memref<32xi32, #tpu.memory_space<vmem>>
        %dma_wait3A_185 = arith.constant 0 : i32
        %dma_wait3A_186 = arith.constant 0 : i32
        %dma_wait3A_187 = tpu.memref_slice %arg2[%dma_wait3A_185, %dma_wait3A_186] : memref<10112x144xf32, #tpu.memory_space<hbm>> -> memref<10112x144xf32, #tpu.memory_space<hbm>>
        tpu.wait_indirect_dma semaphore(%arg17 : memref<!tpu.dma_semaphore, #tpu.memory_space<semaphore_mem>>) src(%dma_wait3A_187 : memref<10112x144xf32, #tpu.memory_space<hbm>>) dst(%arg12 : memref<32x144xf32, #tpu.memory_space<vmem>>)
        %add3A_188 = arith.constant 3 : i32
        %add3A_189 = arith.addi %mul3A_135, %add3A_188 : i32
        %dma_start3A_190 = arith.constant 0 : i32
        %dma_start3A_191 = tpu.memref_slice %arg8[%add3A_189, %dma_start3A_190] : memref<16x32xi32, #tpu.memory_space<vmem>> -> memref<1x32xi32, #tpu.memory_space<vmem>>
        %dma_start3A_192 = tpu.memref_squeeze %dma_start3A_191 : memref<1x32xi32, #tpu.memory_space<vmem>> -> memref<32xi32, #tpu.memory_space<vmem>>
        %dma_start3A_193 = arith.constant 0 : i32
        %dma_start3A_194 = arith.constant 0 : i32
        %dma_start3A_195 = tpu.memref_slice %arg13[%dma_start3A_193, %dma_start3A_194] : memref<10112x144xf32, #tpu.memory_space<vmem_shared>> -> memref<10112x144xf32, #tpu.memory_space<vmem_shared>>
        tpu.enqueue_indirect_dma source(%arg12 : memref<32x144xf32, #tpu.memory_space<vmem>>) target(%dma_start3A_195 : memref<10112x144xf32, #tpu.memory_space<vmem_shared>>) offsets(%dma_start3A_192 : memref<32xi32, #tpu.memory_space<vmem>>) semaphore(%arg21 : memref<!tpu.dma_semaphore, #tpu.memory_space<semaphore_mem>>) {add = true}
        %dma_wait3A_196 = arith.constant 0 : i32
        %dma_wait3A_197 = arith.constant 0 : i32
        %dma_wait3A_198 = tpu.memref_slice %arg8[%dma_wait3A_196, %dma_wait3A_197] : memref<16x32xi32, #tpu.memory_space<vmem>> -> memref<1x32xi32, #tpu.memory_space<vmem>>
        %dma_wait3A_199 = tpu.memref_squeeze %dma_wait3A_198 : memref<1x32xi32, #tpu.memory_space<vmem>> -> memref<32xi32, #tpu.memory_space<vmem>>
        %dma_wait3A_200 = arith.constant 0 : i32
        %dma_wait3A_201 = arith.constant 0 : i32
        %dma_wait3A_202 = tpu.memref_slice %arg13[%dma_wait3A_200, %dma_wait3A_201] : memref<10112x144xf32, #tpu.memory_space<vmem_shared>> -> memref<10112x144xf32, #tpu.memory_space<vmem_shared>>
        tpu.wait_indirect_dma semaphore(%arg18 : memref<!tpu.dma_semaphore, #tpu.memory_space<semaphore_mem>>) src(%arg9 : memref<32x144xf32, #tpu.memory_space<vmem>>) dst(%dma_wait3A_202 : memref<10112x144xf32, #tpu.memory_space<vmem_shared>>)
        %add3A_203 = arith.constant 4 : i32
        %add3A_204 = arith.addi %mul3A_135, %add3A_203 : i32
        %add3A_205 = arith.constant 0 : i32
        %add3A_206 = arith.addi %add3A_204, %add3A_205 : i32
        %dma_start3A_207 = arith.constant 0 : i32
        %dma_start3A_208 = tpu.memref_slice %arg7[%add3A_206, %dma_start3A_207] : memref<16x32xi32, #tpu.memory_space<vmem>> -> memref<1x32xi32, #tpu.memory_space<vmem>>
        %dma_start3A_209 = tpu.memref_squeeze %dma_start3A_208 : memref<1x32xi32, #tpu.memory_space<vmem>> -> memref<32xi32, #tpu.memory_space<vmem>>
        %dma_start3A_210 = arith.constant 0 : i32
        %dma_start3A_211 = arith.constant 0 : i32
        %dma_start3A_212 = tpu.memref_slice %arg2[%dma_start3A_210, %dma_start3A_211] : memref<10112x144xf32, #tpu.memory_space<hbm>> -> memref<10112x144xf32, #tpu.memory_space<hbm>>
        tpu.enqueue_indirect_dma source(%dma_start3A_212 : memref<10112x144xf32, #tpu.memory_space<hbm>>) target(%arg9 : memref<32x144xf32, #tpu.memory_space<vmem>>) offsets(%dma_start3A_209 : memref<32xi32, #tpu.memory_space<vmem>>) semaphore(%arg14 : memref<!tpu.dma_semaphore, #tpu.memory_space<semaphore_mem>>)
        %dma_wait3A_213 = arith.constant 0 : i32
        %dma_wait3A_214 = arith.constant 0 : i32
        %dma_wait3A_215 = tpu.memref_slice %arg8[%dma_wait3A_213, %dma_wait3A_214] : memref<16x32xi32, #tpu.memory_space<vmem>> -> memref<1x32xi32, #tpu.memory_space<vmem>>
        %dma_wait3A_216 = tpu.memref_squeeze %dma_wait3A_215 : memref<1x32xi32, #tpu.memory_space<vmem>> -> memref<32xi32, #tpu.memory_space<vmem>>
        %dma_wait3A_217 = arith.constant 0 : i32
        %dma_wait3A_218 = arith.constant 0 : i32
        %dma_wait3A_219 = tpu.memref_slice %arg13[%dma_wait3A_217, %dma_wait3A_218] : memref<10112x144xf32, #tpu.memory_space<vmem_shared>> -> memref<10112x144xf32, #tpu.memory_space<vmem_shared>>
        tpu.wait_indirect_dma semaphore(%arg19 : memref<!tpu.dma_semaphore, #tpu.memory_space<semaphore_mem>>) src(%arg10 : memref<32x144xf32, #tpu.memory_space<vmem>>) dst(%dma_wait3A_219 : memref<10112x144xf32, #tpu.memory_space<vmem_shared>>)
        %add3A_220 = arith.constant 4 : i32
        %add3A_221 = arith.addi %mul3A_135, %add3A_220 : i32
        %add3A_222 = arith.constant 1 : i32
        %add3A_223 = arith.addi %add3A_221, %add3A_222 : i32
        %dma_start3A_224 = arith.constant 0 : i32
        %dma_start3A_225 = tpu.memref_slice %arg7[%add3A_223, %dma_start3A_224] : memref<16x32xi32, #tpu.memory_space<vmem>> -> memref<1x32xi32, #tpu.memory_space<vmem>>
        %dma_start3A_226 = tpu.memref_squeeze %dma_start3A_225 : memref<1x32xi32, #tpu.memory_space<vmem>> -> memref<32xi32, #tpu.memory_space<vmem>>
        %dma_start3A_227 = arith.constant 0 : i32
        %dma_start3A_228 = arith.constant 0 : i32
        %dma_start3A_229 = tpu.memref_slice %arg2[%dma_start3A_227, %dma_start3A_228] : memref<10112x144xf32, #tpu.memory_space<hbm>> -> memref<10112x144xf32, #tpu.memory_space<hbm>>
        tpu.enqueue_indirect_dma source(%dma_start3A_229 : memref<10112x144xf32, #tpu.memory_space<hbm>>) target(%arg10 : memref<32x144xf32, #tpu.memory_space<vmem>>) offsets(%dma_start3A_226 : memref<32xi32, #tpu.memory_space<vmem>>) semaphore(%arg15 : memref<!tpu.dma_semaphore, #tpu.memory_space<semaphore_mem>>)
        %dma_wait3A_230 = arith.constant 0 : i32
        %dma_wait3A_231 = arith.constant 0 : i32
        %dma_wait3A_232 = tpu.memref_slice %arg8[%dma_wait3A_230, %dma_wait3A_231] : memref<16x32xi32, #tpu.memory_space<vmem>> -> memref<1x32xi32, #tpu.memory_space<vmem>>
        %dma_wait3A_233 = tpu.memref_squeeze %dma_wait3A_232 : memref<1x32xi32, #tpu.memory_space<vmem>> -> memref<32xi32, #tpu.memory_space<vmem>>
        %dma_wait3A_234 = arith.constant 0 : i32
        %dma_wait3A_235 = arith.constant 0 : i32
        %dma_wait3A_236 = tpu.memref_slice %arg13[%dma_wait3A_234, %dma_wait3A_235] : memref<10112x144xf32, #tpu.memory_space<vmem_shared>> -> memref<10112x144xf32, #tpu.memory_space<vmem_shared>>
        tpu.wait_indirect_dma semaphore(%arg20 : memref<!tpu.dma_semaphore, #tpu.memory_space<semaphore_mem>>) src(%arg11 : memref<32x144xf32, #tpu.memory_space<vmem>>) dst(%dma_wait3A_236 : memref<10112x144xf32, #tpu.memory_space<vmem_shared>>)
        %add3A_237 = arith.constant 4 : i32
        %add3A_238 = arith.addi %mul3A_135, %add3A_237 : i32
        %add3A_239 = arith.constant 2 : i32
        %add3A_240 = arith.addi %add3A_238, %add3A_239 : i32
        %dma_start3A_241 = arith.constant 0 : i32
        %dma_start3A_242 = tpu.memref_slice %arg7[%add3A_240, %dma_start3A_241] : memref<16x32xi32, #tpu.memory_space<vmem>> -> memref<1x32xi32, #tpu.memory_space<vmem>>
        %dma_start3A_243 = tpu.memref_squeeze %dma_start3A_242 : memref<1x32xi32, #tpu.memory_space<vmem>> -> memref<32xi32, #tpu.memory_space<vmem>>
        %dma_start3A_244 = arith.constant 0 : i32
        %dma_start3A_245 = arith.constant 0 : i32
        %dma_start3A_246 = tpu.memref_slice %arg2[%dma_start3A_244, %dma_start3A_245] : memref<10112x144xf32, #tpu.memory_space<hbm>> -> memref<10112x144xf32, #tpu.memory_space<hbm>>
        tpu.enqueue_indirect_dma source(%dma_start3A_246 : memref<10112x144xf32, #tpu.memory_space<hbm>>) target(%arg11 : memref<32x144xf32, #tpu.memory_space<vmem>>) offsets(%dma_start3A_243 : memref<32xi32, #tpu.memory_space<vmem>>) semaphore(%arg16 : memref<!tpu.dma_semaphore, #tpu.memory_space<semaphore_mem>>)
        %dma_wait3A_247 = arith.constant 0 : i32
        %dma_wait3A_248 = arith.constant 0 : i32
        %dma_wait3A_249 = tpu.memref_slice %arg8[%dma_wait3A_247, %dma_wait3A_248] : memref<16x32xi32, #tpu.memory_space<vmem>> -> memref<1x32xi32, #tpu.memory_space<vmem>>
        %dma_wait3A_250 = tpu.memref_squeeze %dma_wait3A_249 : memref<1x32xi32, #tpu.memory_space<vmem>> -> memref<32xi32, #tpu.memory_space<vmem>>
        %dma_wait3A_251 = arith.constant 0 : i32
        %dma_wait3A_252 = arith.constant 0 : i32
        %dma_wait3A_253 = tpu.memref_slice %arg13[%dma_wait3A_251, %dma_wait3A_252] : memref<10112x144xf32, #tpu.memory_space<vmem_shared>> -> memref<10112x144xf32, #tpu.memory_space<vmem_shared>>
        tpu.wait_indirect_dma semaphore(%arg21 : memref<!tpu.dma_semaphore, #tpu.memory_space<semaphore_mem>>) src(%arg12 : memref<32x144xf32, #tpu.memory_space<vmem>>) dst(%dma_wait3A_253 : memref<10112x144xf32, #tpu.memory_space<vmem_shared>>)
        %add3A_254 = arith.constant 4 : i32
        %add3A_255 = arith.addi %mul3A_135, %add3A_254 : i32
        %add3A_256 = arith.constant 3 : i32
        %add3A_257 = arith.addi %add3A_255, %add3A_256 : i32
        %dma_start3A_258 = arith.constant 0 : i32
        %dma_start3A_259 = tpu.memref_slice %arg7[%add3A_257, %dma_start3A_258] : memref<16x32xi32, #tpu.memory_space<vmem>> -> memref<1x32xi32, #tpu.memory_space<vmem>>
        %dma_start3A_260 = tpu.memref_squeeze %dma_start3A_259 : memref<1x32xi32, #tpu.memory_space<vmem>> -> memref<32xi32, #tpu.memory_space<vmem>>
        %dma_start3A_261 = arith.constant 0 : i32
        %dma_start3A_262 = arith.constant 0 : i32
        %dma_start3A_263 = tpu.memref_slice %arg2[%dma_start3A_261, %dma_start3A_262] : memref<10112x144xf32, #tpu.memory_space<hbm>> -> memref<10112x144xf32, #tpu.memory_space<hbm>>
        tpu.enqueue_indirect_dma source(%dma_start3A_263 : memref<10112x144xf32, #tpu.memory_space<hbm>>) target(%arg12 : memref<32x144xf32, #tpu.memory_space<vmem>>) offsets(%dma_start3A_260 : memref<32xi32, #tpu.memory_space<vmem>>) semaphore(%arg17 : memref<!tpu.dma_semaphore, #tpu.memory_space<semaphore_mem>>)
      }
      %scan3A_49 = arith.constant 3 : i32
      %dma_wait3A = arith.constant 0 : i32
      %dma_wait3A_50 = arith.constant 0 : i32
      %dma_wait3A_51 = tpu.memref_slice %arg7[%dma_wait3A, %dma_wait3A_50] : memref<16x32xi32, #tpu.memory_space<vmem>> -> memref<1x32xi32, #tpu.memory_space<vmem>>
      %dma_wait3A_52 = tpu.memref_squeeze %dma_wait3A_51 : memref<1x32xi32, #tpu.memory_space<vmem>> -> memref<32xi32, #tpu.memory_space<vmem>>
      %dma_wait3A_53 = arith.constant 0 : i32
      %dma_wait3A_54 = arith.constant 0 : i32
      %dma_wait3A_55 = tpu.memref_slice %arg2[%dma_wait3A_53, %dma_wait3A_54] : memref<10112x144xf32, #tpu.memory_space<hbm>> -> memref<10112x144xf32, #tpu.memory_space<hbm>>
      tpu.wait_indirect_dma semaphore(%arg14 : memref<!tpu.dma_semaphore, #tpu.memory_space<semaphore_mem>>) src(%dma_wait3A_55 : memref<10112x144xf32, #tpu.memory_space<hbm>>) dst(%arg9 : memref<32x144xf32, #tpu.memory_space<vmem>>)
      %dma_start3A_56 = arith.constant 12 : i32
      %dma_start3A_57 = arith.constant 0 : i32
      %dma_start3A_58 = tpu.memref_slice %arg8[%dma_start3A_56, %dma_start3A_57] : memref<16x32xi32, #tpu.memory_space<vmem>> -> memref<1x32xi32, #tpu.memory_space<vmem>>
      %dma_start3A_59 = tpu.memref_squeeze %dma_start3A_58 : memref<1x32xi32, #tpu.memory_space<vmem>> -> memref<32xi32, #tpu.memory_space<vmem>>
      %dma_start3A_60 = arith.constant 0 : i32
      %dma_start3A_61 = arith.constant 0 : i32
      %dma_start3A_62 = tpu.memref_slice %arg13[%dma_start3A_60, %dma_start3A_61] : memref<10112x144xf32, #tpu.memory_space<vmem_shared>> -> memref<10112x144xf32, #tpu.memory_space<vmem_shared>>
      tpu.enqueue_indirect_dma source(%arg9 : memref<32x144xf32, #tpu.memory_space<vmem>>) target(%dma_start3A_62 : memref<10112x144xf32, #tpu.memory_space<vmem_shared>>) offsets(%dma_start3A_59 : memref<32xi32, #tpu.memory_space<vmem>>) semaphore(%arg18 : memref<!tpu.dma_semaphore, #tpu.memory_space<semaphore_mem>>) {add = true}
      %dma_wait3A_63 = arith.constant 0 : i32
      %dma_wait3A_64 = arith.constant 0 : i32
      %dma_wait3A_65 = tpu.memref_slice %arg7[%dma_wait3A_63, %dma_wait3A_64] : memref<16x32xi32, #tpu.memory_space<vmem>> -> memref<1x32xi32, #tpu.memory_space<vmem>>
      %dma_wait3A_66 = tpu.memref_squeeze %dma_wait3A_65 : memref<1x32xi32, #tpu.memory_space<vmem>> -> memref<32xi32, #tpu.memory_space<vmem>>
      %dma_wait3A_67 = arith.constant 0 : i32
      %dma_wait3A_68 = arith.constant 0 : i32
      %dma_wait3A_69 = tpu.memref_slice %arg2[%dma_wait3A_67, %dma_wait3A_68] : memref<10112x144xf32, #tpu.memory_space<hbm>> -> memref<10112x144xf32, #tpu.memory_space<hbm>>
      tpu.wait_indirect_dma semaphore(%arg15 : memref<!tpu.dma_semaphore, #tpu.memory_space<semaphore_mem>>) src(%dma_wait3A_69 : memref<10112x144xf32, #tpu.memory_space<hbm>>) dst(%arg10 : memref<32x144xf32, #tpu.memory_space<vmem>>)
      %dma_start3A_70 = arith.constant 13 : i32
      %dma_start3A_71 = arith.constant 0 : i32
      %dma_start3A_72 = tpu.memref_slice %arg8[%dma_start3A_70, %dma_start3A_71] : memref<16x32xi32, #tpu.memory_space<vmem>> -> memref<1x32xi32, #tpu.memory_space<vmem>>
      %dma_start3A_73 = tpu.memref_squeeze %dma_start3A_72 : memref<1x32xi32, #tpu.memory_space<vmem>> -> memref<32xi32, #tpu.memory_space<vmem>>
      %dma_start3A_74 = arith.constant 0 : i32
      %dma_start3A_75 = arith.constant 0 : i32
      %dma_start3A_76 = tpu.memref_slice %arg13[%dma_start3A_74, %dma_start3A_75] : memref<10112x144xf32, #tpu.memory_space<vmem_shared>> -> memref<10112x144xf32, #tpu.memory_space<vmem_shared>>
      tpu.enqueue_indirect_dma source(%arg10 : memref<32x144xf32, #tpu.memory_space<vmem>>) target(%dma_start3A_76 : memref<10112x144xf32, #tpu.memory_space<vmem_shared>>) offsets(%dma_start3A_73 : memref<32xi32, #tpu.memory_space<vmem>>) semaphore(%arg19 : memref<!tpu.dma_semaphore, #tpu.memory_space<semaphore_mem>>) {add = true}
      %dma_wait3A_77 = arith.constant 0 : i32
      %dma_wait3A_78 = arith.constant 0 : i32
      %dma_wait3A_79 = tpu.memref_slice %arg7[%dma_wait3A_77, %dma_wait3A_78] : memref<16x32xi32, #tpu.memory_space<vmem>> -> memref<1x32xi32, #tpu.memory_space<vmem>>
      %dma_wait3A_80 = tpu.memref_squeeze %dma_wait3A_79 : memref<1x32xi32, #tpu.memory_space<vmem>> -> memref<32xi32, #tpu.memory_space<vmem>>
      %dma_wait3A_81 = arith.constant 0 : i32
      %dma_wait3A_82 = arith.constant 0 : i32
      %dma_wait3A_83 = tpu.memref_slice %arg2[%dma_wait3A_81, %dma_wait3A_82] : memref<10112x144xf32, #tpu.memory_space<hbm>> -> memref<10112x144xf32, #tpu.memory_space<hbm>>
      tpu.wait_indirect_dma semaphore(%arg16 : memref<!tpu.dma_semaphore, #tpu.memory_space<semaphore_mem>>) src(%dma_wait3A_83 : memref<10112x144xf32, #tpu.memory_space<hbm>>) dst(%arg11 : memref<32x144xf32, #tpu.memory_space<vmem>>)
      %dma_start3A_84 = arith.constant 14 : i32
      %dma_start3A_85 = arith.constant 0 : i32
      %dma_start3A_86 = tpu.memref_slice %arg8[%dma_start3A_84, %dma_start3A_85] : memref<16x32xi32, #tpu.memory_space<vmem>> -> memref<1x32xi32, #tpu.memory_space<vmem>>
      %dma_start3A_87 = tpu.memref_squeeze %dma_start3A_86 : memref<1x32xi32, #tpu.memory_space<vmem>> -> memref<32xi32, #tpu.memory_space<vmem>>
      %dma_start3A_88 = arith.constant 0 : i32
      %dma_start3A_89 = arith.constant 0 : i32
      %dma_start3A_90 = tpu.memref_slice %arg13[%dma_start3A_88, %dma_start3A_89] : memref<10112x144xf32, #tpu.memory_space<vmem_shared>> -> memref<10112x144xf32, #tpu.memory_space<vmem_shared>>
      tpu.enqueue_indirect_dma source(%arg11 : memref<32x144xf32, #tpu.memory_space<vmem>>) target(%dma_start3A_90 : memref<10112x144xf32, #tpu.memory_space<vmem_shared>>) offsets(%dma_start3A_87 : memref<32xi32, #tpu.memory_space<vmem>>) semaphore(%arg20 : memref<!tpu.dma_semaphore, #tpu.memory_space<semaphore_mem>>) {add = true}
      %dma_wait3A_91 = arith.constant 0 : i32
      %dma_wait3A_92 = arith.constant 0 : i32
      %dma_wait3A_93 = tpu.memref_slice %arg7[%dma_wait3A_91, %dma_wait3A_92] : memref<16x32xi32, #tpu.memory_space<vmem>> -> memref<1x32xi32, #tpu.memory_space<vmem>>
      %dma_wait3A_94 = tpu.memref_squeeze %dma_wait3A_93 : memref<1x32xi32, #tpu.memory_space<vmem>> -> memref<32xi32, #tpu.memory_space<vmem>>
      %dma_wait3A_95 = arith.constant 0 : i32
      %dma_wait3A_96 = arith.constant 0 : i32
      %dma_wait3A_97 = tpu.memref_slice %arg2[%dma_wait3A_95, %dma_wait3A_96] : memref<10112x144xf32, #tpu.memory_space<hbm>> -> memref<10112x144xf32, #tpu.memory_space<hbm>>
      tpu.wait_indirect_dma semaphore(%arg17 : memref<!tpu.dma_semaphore, #tpu.memory_space<semaphore_mem>>) src(%dma_wait3A_97 : memref<10112x144xf32, #tpu.memory_space<hbm>>) dst(%arg12 : memref<32x144xf32, #tpu.memory_space<vmem>>)
      %dma_start3A_98 = arith.constant 15 : i32
      %dma_start3A_99 = arith.constant 0 : i32
      %dma_start3A_100 = tpu.memref_slice %arg8[%dma_start3A_98, %dma_start3A_99] : memref<16x32xi32, #tpu.memory_space<vmem>> -> memref<1x32xi32, #tpu.memory_space<vmem>>
      %dma_start3A_101 = tpu.memref_squeeze %dma_start3A_100 : memref<1x32xi32, #tpu.memory_space<vmem>> -> memref<32xi32, #tpu.memory_space<vmem>>
      %dma_start3A_102 = arith.constant 0 : i32
      %dma_start3A_103 = arith.constant 0 : i32
      %dma_start3A_104 = tpu.memref_slice %arg13[%dma_start3A_102, %dma_start3A_103] : memref<10112x144xf32, #tpu.memory_space<vmem_shared>> -> memref<10112x144xf32, #tpu.memory_space<vmem_shared>>
      tpu.enqueue_indirect_dma source(%arg12 : memref<32x144xf32, #tpu.memory_space<vmem>>) target(%dma_start3A_104 : memref<10112x144xf32, #tpu.memory_space<vmem_shared>>) offsets(%dma_start3A_101 : memref<32xi32, #tpu.memory_space<vmem>>) semaphore(%arg21 : memref<!tpu.dma_semaphore, #tpu.memory_space<semaphore_mem>>) {add = true}
      %dma_wait3A_105 = arith.constant 0 : i32
      %dma_wait3A_106 = arith.constant 0 : i32
      %dma_wait3A_107 = tpu.memref_slice %arg8[%dma_wait3A_105, %dma_wait3A_106] : memref<16x32xi32, #tpu.memory_space<vmem>> -> memref<1x32xi32, #tpu.memory_space<vmem>>
      %dma_wait3A_108 = tpu.memref_squeeze %dma_wait3A_107 : memref<1x32xi32, #tpu.memory_space<vmem>> -> memref<32xi32, #tpu.memory_space<vmem>>
      %dma_wait3A_109 = arith.constant 0 : i32
      %dma_wait3A_110 = arith.constant 0 : i32
      %dma_wait3A_111 = tpu.memref_slice %arg13[%dma_wait3A_109, %dma_wait3A_110] : memref<10112x144xf32, #tpu.memory_space<vmem_shared>> -> memref<10112x144xf32, #tpu.memory_space<vmem_shared>>
      tpu.wait_indirect_dma semaphore(%arg18 : memref<!tpu.dma_semaphore, #tpu.memory_space<semaphore_mem>>) src(%arg9 : memref<32x144xf32, #tpu.memory_space<vmem>>) dst(%dma_wait3A_111 : memref<10112x144xf32, #tpu.memory_space<vmem_shared>>)
      %dma_wait3A_112 = arith.constant 0 : i32
      %dma_wait3A_113 = arith.constant 0 : i32
      %dma_wait3A_114 = tpu.memref_slice %arg8[%dma_wait3A_112, %dma_wait3A_113] : memref<16x32xi32, #tpu.memory_space<vmem>> -> memref<1x32xi32, #tpu.memory_space<vmem>>
      %dma_wait3A_115 = tpu.memref_squeeze %dma_wait3A_114 : memref<1x32xi32, #tpu.memory_space<vmem>> -> memref<32xi32, #tpu.memory_space<vmem>>
      %dma_wait3A_116 = arith.constant 0 : i32
      %dma_wait3A_117 = arith.constant 0 : i32
      %dma_wait3A_118 = tpu.memref_slice %arg13[%dma_wait3A_116, %dma_wait3A_117] : memref<10112x144xf32, #tpu.memory_space<vmem_shared>> -> memref<10112x144xf32, #tpu.memory_space<vmem_shared>>
      tpu.wait_indirect_dma semaphore(%arg19 : memref<!tpu.dma_semaphore, #tpu.memory_space<semaphore_mem>>) src(%arg10 : memref<32x144xf32, #tpu.memory_space<vmem>>) dst(%dma_wait3A_118 : memref<10112x144xf32, #tpu.memory_space<vmem_shared>>)
      %dma_wait3A_119 = arith.constant 0 : i32
      %dma_wait3A_120 = arith.constant 0 : i32
      %dma_wait3A_121 = tpu.memref_slice %arg8[%dma_wait3A_119, %dma_wait3A_120] : memref<16x32xi32, #tpu.memory_space<vmem>> -> memref<1x32xi32, #tpu.memory_space<vmem>>
      %dma_wait3A_122 = tpu.memref_squeeze %dma_wait3A_121 : memref<1x32xi32, #tpu.memory_space<vmem>> -> memref<32xi32, #tpu.memory_space<vmem>>
      %dma_wait3A_123 = arith.constant 0 : i32
      %dma_wait3A_124 = arith.constant 0 : i32
      %dma_wait3A_125 = tpu.memref_slice %arg13[%dma_wait3A_123, %dma_wait3A_124] : memref<10112x144xf32, #tpu.memory_space<vmem_shared>> -> memref<10112x144xf32, #tpu.memory_space<vmem_shared>>
      tpu.wait_indirect_dma semaphore(%arg20 : memref<!tpu.dma_semaphore, #tpu.memory_space<semaphore_mem>>) src(%arg11 : memref<32x144xf32, #tpu.memory_space<vmem>>) dst(%dma_wait3A_125 : memref<10112x144xf32, #tpu.memory_space<vmem_shared>>)
      %dma_wait3A_126 = arith.constant 0 : i32
      %dma_wait3A_127 = arith.constant 0 : i32
      %dma_wait3A_128 = tpu.memref_slice %arg8[%dma_wait3A_126, %dma_wait3A_127] : memref<16x32xi32, #tpu.memory_space<vmem>> -> memref<1x32xi32, #tpu.memory_space<vmem>>
      %dma_wait3A_129 = tpu.memref_squeeze %dma_wait3A_128 : memref<1x32xi32, #tpu.memory_space<vmem>> -> memref<32xi32, #tpu.memory_space<vmem>>
      %dma_wait3A_130 = arith.constant 0 : i32
      %dma_wait3A_131 = arith.constant 0 : i32
      %dma_wait3A_132 = tpu.memref_slice %arg13[%dma_wait3A_130, %dma_wait3A_131] : memref<10112x144xf32, #tpu.memory_space<vmem_shared>> -> memref<10112x144xf32, #tpu.memory_space<vmem_shared>>
      tpu.wait_indirect_dma semaphore(%arg21 : memref<!tpu.dma_semaphore, #tpu.memory_space<semaphore_mem>>) src(%arg12 : memref<32x144xf32, #tpu.memory_space<vmem>>) dst(%dma_wait3A_132 : memref<10112x144xf32, #tpu.memory_space<vmem_shared>>)
    }
    %scan3A_7 = arith.constant 20 : i32
    %barrier3A_8 = arith.constant 0 : index
    tpu.barrier barrier_id(%barrier3A_8)
    %mul3A_9 = arith.constant 10112 : i32
    %mul3A_10 = arith.muli %arg0, %mul3A_9 : i32
    %add3A_11 = arith.addi %mul3A_10, %mul3A_2 : i32
    "tpu.region"() ({
      %run_scoped3A = tpu.sem_alloc : memref<!tpu.dma_semaphore, #tpu.memory_space<semaphore_mem>>
      %dma_start3A = arith.constant 0 : i32
      %dma_start3A_12 = tpu.memref_slice %arg6[%add3A_11, %dma_start3A] : memref<20224x144xf32, #tpu.memory_space<hbm>> -> memref<632x144xf32, #tpu.memory_space<hbm>>
      %dma_start3A_13 = arith.constant 0 : i32
      %dma_start3A_14 = tpu.memref_slice %arg13[%mul3A_2, %dma_start3A_13] : memref<10112x144xf32, #tpu.memory_space<vmem_shared>> -> memref<632x144xf32, #tpu.memory_space<vmem_shared>>
      tpu.enqueue_dma source(%dma_start3A_14 : memref<632x144xf32, #tpu.memory_space<vmem_shared>>) target(%dma_start3A_12 : memref<632x144xf32, #tpu.memory_space<hbm>>) target_semaphore(%run_scoped3A : memref<!tpu.dma_semaphore, #tpu.memory_space<semaphore_mem>>)
      %dma_wait3A = arith.constant 0 : i32
      %dma_wait3A_15 = tpu.memref_slice %arg6[%add3A_11, %dma_wait3A] : memref<20224x144xf32, #tpu.memory_space<hbm>> -> memref<632x144xf32, #tpu.memory_space<hbm>>
      %dma_wait3A_16 = arith.constant 0 : i32
      %dma_wait3A_17 = tpu.memref_slice %arg13[%mul3A_2, %dma_wait3A_16] : memref<10112x144xf32, #tpu.memory_space<vmem_shared>> -> memref<632x144xf32, #tpu.memory_space<vmem_shared>>
      tpu.wait_dma2 semaphore(%run_scoped3A : memref<!tpu.dma_semaphore, #tpu.memory_space<semaphore_mem>>) src(%dma_wait3A_17 : memref<632x144xf32, #tpu.memory_space<vmem_shared>>) dst(%dma_wait3A_15 : memref<632x144xf32, #tpu.memory_space<hbm>>)
      tpu.yield
    }) : () -> ()
    return
  }
}

module attributes {stable_mosaic.version = 14 : i64} {
  func.func @body(%arg0: i32, %arg1: memref<632x144xf32, #tpu.memory_space<vmem>>, %arg2: memref<632x144xf32, #tpu.memory_space<vmem>>, %arg3: memref<632x144xf32, #tpu.memory_space<vmem>>, %arg4: memref<632x144xf32, #tpu.memory_space<vmem>>, %arg5: memref<632x144xf32, #tpu.memory_space<vmem>>, %arg6: memref<128x128xf32, #tpu.memory_space<vmem>>, %arg7: memref<1x128xf32, #tpu.memory_space<vmem>>, %arg8: memref<128x128xf32, #tpu.memory_space<vmem>>, %arg9: memref<632x128xf32, #tpu.memory_space<vmem>>) attributes {dimension_semantics = [#tpu.dimension_semantics<arbitrary>], iteration_bounds = array<i64: 16>, scalar_prefetch = 0 : i64, scratch_operands = 0 : i64, tpu.core_type = #tpu.core_type<tc>, window_params = [{transform_indices = @transform_0, window_bounds = array<i64: 632, 144>}, {transform_indices = @transform_1, window_bounds = array<i64: 632, 144>}, {transform_indices = @transform_2, window_bounds = array<i64: 632, 144>}, {transform_indices = @transform_3, window_bounds = array<i64: 632, 144>}, {transform_indices = @transform_4, window_bounds = array<i64: 632, 144>}, {pipeline_mode = #tpu.pipeline_mode<synchronous>, transform_indices = @transform_5, window_bounds = array<i64: 128, 128>}, {pipeline_mode = #tpu.pipeline_mode<synchronous>, transform_indices = @transform_6, window_bounds = array<i64: 1, 128>}, {pipeline_mode = #tpu.pipeline_mode<synchronous>, transform_indices = @transform_7, window_bounds = array<i64: 128, 128>}, {transform_indices = @transform_8, window_bounds = array<i64: 632, 128>}]} {
    %get3A = arith.constant 0 : index
    %get3A_0 = arith.constant 128 : index
    %get3A_1 = vector.load %arg3[%get3A, %get3A_0] : memref<632x144xf32, #tpu.memory_space<vmem>>, vector<632x1xf32>
    %get3A_2 = arith.constant 0 : index
    %get3A_3 = arith.constant 128 : index
    %get3A_4 = vector.load %arg4[%get3A_2, %get3A_3] : memref<632x144xf32, #tpu.memory_space<vmem>>, vector<632x1xf32>
    %add3A = arith.addf %get3A_1, %get3A_4 : vector<632x1xf32>
    %get3A_5 = arith.constant 0 : index
    %get3A_6 = arith.constant 0 : index
    %get3A_7 = vector.load %arg1[%get3A_5, %get3A_6] : memref<632x144xf32, #tpu.memory_space<vmem>>, vector<632x128xf32>
    %get3A_8 = arith.constant 0 : index
    %get3A_9 = arith.constant 0 : index
    %get3A_10 = vector.load %arg2[%get3A_8, %get3A_9] : memref<632x144xf32, #tpu.memory_space<vmem>>, vector<632x128xf32>
    %add3A_11 = arith.addf %get3A_7, %get3A_10 : vector<632x128xf32>
    %max3A = arith.constant 1.000000e+00 : f32
    %max3A_12 = vector.broadcast %max3A : f32 to vector<632x1xf32>
    %max3A_13 = arith.maximumf %add3A, %max3A_12 : vector<632x1xf32>
    %div3A = vector.broadcast %max3A_13 : vector<632x1xf32> to vector<632x128xf32>
    %div3A_14 = arith.divf %add3A_11, %div3A : vector<632x128xf32>
    %get3A_15 = arith.constant 0 : index
    %get3A_16 = arith.constant 0 : index
    %get3A_17 = vector.load %arg6[%get3A_15, %get3A_16] : memref<128x128xf32, #tpu.memory_space<vmem>>, vector<128x128xf32>
    %dot_general3A = arith.constant dense<0.000000e+00> : vector<632x128xf32>
    %dot_general3A_18 = tpu.matmul %div3A_14, %get3A_17, %dot_general3A {dimension_numbers = #tpu.dot_dimension_numbers<[1], [0], [0], [1], [0, 0, 1, 1], [], []>, transpose_lhs_hint = false} : vector<632x128xf32>, vector<128x128xf32>, vector<632x128xf32> -> vector<632x128xf32>
    %get3A_19 = arith.constant 0 : index
    %get3A_20 = arith.constant 0 : index
    %get3A_21 = vector.load %arg7[%get3A_19, %get3A_20] : memref<1x128xf32, #tpu.memory_space<vmem>>, vector<1x128xf32>
    %add3A_22 = vector.broadcast %get3A_21 : vector<1x128xf32> to vector<632x128xf32>
    %add3A_23 = arith.addf %dot_general3A_18, %add3A_22 : vector<632x128xf32>
    %get3A_24 = arith.constant 0 : index
    %get3A_25 = arith.constant 0 : index
    %get3A_26 = vector.load %arg5[%get3A_24, %get3A_25] : memref<632x144xf32, #tpu.memory_space<vmem>>, vector<632x128xf32>
    %get3A_27 = arith.constant 0 : index
    %get3A_28 = arith.constant 0 : index
    %get3A_29 = vector.load %arg8[%get3A_27, %get3A_28] : memref<128x128xf32, #tpu.memory_space<vmem>>, vector<128x128xf32>
    %dot_general3A_30 = arith.constant dense<0.000000e+00> : vector<632x128xf32>
    %dot_general3A_31 = tpu.matmul %get3A_26, %get3A_29, %dot_general3A_30 {dimension_numbers = #tpu.dot_dimension_numbers<[1], [0], [0], [1], [0, 0, 1, 1], [], []>, transpose_lhs_hint = false} : vector<632x128xf32>, vector<128x128xf32>, vector<632x128xf32> -> vector<632x128xf32>
    %add3A_32 = arith.addf %add3A_23, %dot_general3A_31 : vector<632x128xf32>
    %max3A_33 = arith.constant 0.000000e+00 : f32
    %max3A_34 = vector.broadcast %max3A_33 : f32 to vector<632x128xf32>
    %max3A_35 = arith.maximumf %add3A_32, %max3A_34 : vector<632x128xf32>
    %swap3A = arith.constant 0 : index
    %swap3A_36 = arith.constant 0 : index
    %swap3A_37 = vector.load %arg9[%swap3A, %swap3A_36] : memref<632x128xf32, #tpu.memory_space<vmem>>, vector<632x128xf32>
    tpu.vector_store %arg9[%swap3A, %swap3A_36], %max3A_35 {strides = array<i32>} : memref<632x128xf32, #tpu.memory_space<vmem>>, vector<632x128xf32>,
    return
  }
  func.func @transform_0(%arg0: i32) -> (i32, i32) {
    %c0_i32 = arith.constant 0 : i32
    %c0_i32_0 = arith.constant 0 : i32
    return %arg0, %c0_i32 : i32, i32
  }
  func.func @transform_1(%arg0: i32) -> (i32, i32) {
    %add3A = arith.constant 16 : i32
    %add3A_0 = arith.addi %arg0, %add3A : i32
    %c0_i32 = arith.constant 0 : i32
    %c0_i32_1 = arith.constant 0 : i32
    return %add3A_0, %c0_i32 : i32, i32
  }
  func.func @transform_2(%arg0: i32) -> (i32, i32) {
    %c0_i32 = arith.constant 0 : i32
    %c0_i32_0 = arith.constant 0 : i32
    return %arg0, %c0_i32 : i32, i32
  }
  func.func @transform_3(%arg0: i32) -> (i32, i32) {
    %add3A = arith.constant 16 : i32
    %add3A_0 = arith.addi %arg0, %add3A : i32
    %c0_i32 = arith.constant 0 : i32
    %c0_i32_1 = arith.constant 0 : i32
    return %add3A_0, %c0_i32 : i32, i32
  }
  func.func @transform_4(%arg0: i32) -> (i32, i32) {
    %c0_i32 = arith.constant 0 : i32
    %c0_i32_0 = arith.constant 0 : i32
    return %arg0, %c0_i32 : i32, i32
  }
  func.func @transform_5(%arg0: i32) -> (i32, i32) {
    %c0_i32 = arith.constant 0 : i32
    %c0_i32_0 = arith.constant 0 : i32
    %c0_i32_1 = arith.constant 0 : i32
    return %c0_i32, %c0_i32_0 : i32, i32
  }
  func.func @transform_6(%arg0: i32) -> (i32, i32) {
    %c0_i32 = arith.constant 0 : i32
    %c0_i32_0 = arith.constant 0 : i32
    %c0_i32_1 = arith.constant 0 : i32
    return %c0_i32, %c0_i32_0 : i32, i32
  }
  func.func @transform_7(%arg0: i32) -> (i32, i32) {
    %c0_i32 = arith.constant 0 : i32
    %c0_i32_0 = arith.constant 0 : i32
    %c0_i32_1 = arith.constant 0 : i32
    return %c0_i32, %c0_i32_0 : i32, i32
  }
  func.func @transform_8(%arg0: i32) -> (i32, i32) {
    %c0_i32 = arith.constant 0 : i32
    %c0_i32_0 = arith.constant 0 : i32
    return %arg0, %c0_i32 : i32, i32
  }
}

module attributes {stable_mosaic.version = 14 : i64} {
  func.func @body(%arg0: i32, %arg1: memref<632x128xf32, #tpu.memory_space<vmem>>, %arg2: memref<632x128xf32, #tpu.memory_space<vmem>>, %arg3: memref<632x144xf32, #tpu.memory_space<vmem>>, %arg4: memref<632x144xf32, #tpu.memory_space<vmem>>, %arg5: memref<632x128xf32, #tpu.memory_space<vmem>>, %arg6: memref<128x128xf32, #tpu.memory_space<vmem>>, %arg7: memref<1x128xf32, #tpu.memory_space<vmem>>, %arg8: memref<128x128xf32, #tpu.memory_space<vmem>>, %arg9: memref<632x128xf32, #tpu.memory_space<vmem>>) attributes {dimension_semantics = [#tpu.dimension_semantics<arbitrary>], iteration_bounds = array<i64: 16>, scalar_prefetch = 0 : i64, scratch_operands = 0 : i64, tpu.core_type = #tpu.core_type<tc>, window_params = [{transform_indices = @transform_0, window_bounds = array<i64: 632, 128>}, {transform_indices = @transform_1, window_bounds = array<i64: 632, 128>}, {transform_indices = @transform_2, window_bounds = array<i64: 632, 144>}, {transform_indices = @transform_3, window_bounds = array<i64: 632, 144>}, {transform_indices = @transform_4, window_bounds = array<i64: 632, 128>}, {pipeline_mode = #tpu.pipeline_mode<synchronous>, transform_indices = @transform_5, window_bounds = array<i64: 128, 128>}, {pipeline_mode = #tpu.pipeline_mode<synchronous>, transform_indices = @transform_6, window_bounds = array<i64: 1, 128>}, {pipeline_mode = #tpu.pipeline_mode<synchronous>, transform_indices = @transform_7, window_bounds = array<i64: 128, 128>}, {transform_indices = @transform_8, window_bounds = array<i64: 632, 128>}]} {
    %get3A = arith.constant 0 : index
    %get3A_0 = arith.constant 128 : index
    %get3A_1 = vector.load %arg3[%get3A, %get3A_0] : memref<632x144xf32, #tpu.memory_space<vmem>>, vector<632x1xf32>
    %get3A_2 = arith.constant 0 : index
    %get3A_3 = arith.constant 128 : index
    %get3A_4 = vector.load %arg4[%get3A_2, %get3A_3] : memref<632x144xf32, #tpu.memory_space<vmem>>, vector<632x1xf32>
    %add3A = arith.addf %get3A_1, %get3A_4 : vector<632x1xf32>
    %get3A_5 = arith.constant 0 : index
    %get3A_6 = arith.constant 0 : index
    %get3A_7 = vector.load %arg1[%get3A_5, %get3A_6] : memref<632x128xf32, #tpu.memory_space<vmem>>, vector<632x128xf32>
    %get3A_8 = arith.constant 0 : index
    %get3A_9 = arith.constant 0 : index
    %get3A_10 = vector.load %arg2[%get3A_8, %get3A_9] : memref<632x128xf32, #tpu.memory_space<vmem>>, vector<632x128xf32>
    %add3A_11 = arith.addf %get3A_7, %get3A_10 : vector<632x128xf32>
    %max3A = arith.constant 1.000000e+00 : f32
    %max3A_12 = vector.broadcast %max3A : f32 to vector<632x1xf32>
    %max3A_13 = arith.maximumf %add3A, %max3A_12 : vector<632x1xf32>
    %div3A = vector.broadcast %max3A_13 : vector<632x1xf32> to vector<632x128xf32>
    %div3A_14 = arith.divf %add3A_11, %div3A : vector<632x128xf32>
    %get3A_15 = arith.constant 0 : index
    %get3A_16 = arith.constant 0 : index
    %get3A_17 = vector.load %arg6[%get3A_15, %get3A_16] : memref<128x128xf32, #tpu.memory_space<vmem>>, vector<128x128xf32>
    %dot_general3A = arith.constant dense<0.000000e+00> : vector<632x128xf32>
    %dot_general3A_18 = tpu.matmul %div3A_14, %get3A_17, %dot_general3A {dimension_numbers = #tpu.dot_dimension_numbers<[1], [0], [0], [1], [0, 0, 1, 1], [], []>, transpose_lhs_hint = false} : vector<632x128xf32>, vector<128x128xf32>, vector<632x128xf32> -> vector<632x128xf32>
    %get3A_19 = arith.constant 0 : index
    %get3A_20 = arith.constant 0 : index
    %get3A_21 = vector.load %arg7[%get3A_19, %get3A_20] : memref<1x128xf32, #tpu.memory_space<vmem>>, vector<1x128xf32>
    %add3A_22 = vector.broadcast %get3A_21 : vector<1x128xf32> to vector<632x128xf32>
    %add3A_23 = arith.addf %dot_general3A_18, %add3A_22 : vector<632x128xf32>
    %get3A_24 = arith.constant 0 : index
    %get3A_25 = arith.constant 0 : index
    %get3A_26 = vector.load %arg5[%get3A_24, %get3A_25] : memref<632x128xf32, #tpu.memory_space<vmem>>, vector<632x128xf32>
    %get3A_27 = arith.constant 0 : index
    %get3A_28 = arith.constant 0 : index
    %get3A_29 = vector.load %arg8[%get3A_27, %get3A_28] : memref<128x128xf32, #tpu.memory_space<vmem>>, vector<128x128xf32>
    %dot_general3A_30 = arith.constant dense<0.000000e+00> : vector<632x128xf32>
    %dot_general3A_31 = tpu.matmul %get3A_26, %get3A_29, %dot_general3A_30 {dimension_numbers = #tpu.dot_dimension_numbers<[1], [0], [0], [1], [0, 0, 1, 1], [], []>, transpose_lhs_hint = false} : vector<632x128xf32>, vector<128x128xf32>, vector<632x128xf32> -> vector<632x128xf32>
    %add3A_32 = arith.addf %add3A_23, %dot_general3A_31 : vector<632x128xf32>
    %swap3A = arith.constant 0 : index
    %swap3A_33 = arith.constant 0 : index
    %swap3A_34 = vector.load %arg9[%swap3A, %swap3A_33] : memref<632x128xf32, #tpu.memory_space<vmem>>, vector<632x128xf32>
    tpu.vector_store %arg9[%swap3A, %swap3A_33], %add3A_32 {strides = array<i32>} : memref<632x128xf32, #tpu.memory_space<vmem>>, vector<632x128xf32>,
    return
  }
  func.func @transform_0(%arg0: i32) -> (i32, i32) {
    %c0_i32 = arith.constant 0 : i32
    %c0_i32_0 = arith.constant 0 : i32
    return %arg0, %c0_i32 : i32, i32
  }
  func.func @transform_1(%arg0: i32) -> (i32, i32) {
    %add3A = arith.constant 16 : i32
    %add3A_0 = arith.addi %arg0, %add3A : i32
    %c0_i32 = arith.constant 0 : i32
    %c0_i32_1 = arith.constant 0 : i32
    return %add3A_0, %c0_i32 : i32, i32
  }
  func.func @transform_2(%arg0: i32) -> (i32, i32) {
    %c0_i32 = arith.constant 0 : i32
    %c0_i32_0 = arith.constant 0 : i32
    return %arg0, %c0_i32 : i32, i32
  }
  func.func @transform_3(%arg0: i32) -> (i32, i32) {
    %add3A = arith.constant 16 : i32
    %add3A_0 = arith.addi %arg0, %add3A : i32
    %c0_i32 = arith.constant 0 : i32
    %c0_i32_1 = arith.constant 0 : i32
    return %add3A_0, %c0_i32 : i32, i32
  }
  func.func @transform_4(%arg0: i32) -> (i32, i32) {
    %c0_i32 = arith.constant 0 : i32
    %c0_i32_0 = arith.constant 0 : i32
    return %arg0, %c0_i32 : i32, i32
  }
  func.func @transform_5(%arg0: i32) -> (i32, i32) {
    %c0_i32 = arith.constant 0 : i32
    %c0_i32_0 = arith.constant 0 : i32
    %c0_i32_1 = arith.constant 0 : i32
    return %c0_i32, %c0_i32_0 : i32, i32
  }
  func.func @transform_6(%arg0: i32) -> (i32, i32) {
    %c0_i32 = arith.constant 0 : i32
    %c0_i32_0 = arith.constant 0 : i32
    %c0_i32_1 = arith.constant 0 : i32
    return %c0_i32, %c0_i32_0 : i32, i32
  }
  func.func @transform_7(%arg0: i32) -> (i32, i32) {
    %c0_i32 = arith.constant 0 : i32
    %c0_i32_0 = arith.constant 0 : i32
    %c0_i32_1 = arith.constant 0 : i32
    return %c0_i32, %c0_i32_0 : i32, i32
  }
  func.func @transform_8(%arg0: i32) -> (i32, i32) {
    %c0_i32 = arith.constant 0 : i32
    %c0_i32_0 = arith.constant 0 : i32
    return %arg0, %c0_i32 : i32, i32
  }
}

</mosaic_0001>

<sc_bundles>
// kernel: kernel.6.cloned.1.call-start
scs
__scs_entry_jumppad:
0x0: {  	(pc) =	sbr.rel $0x88, $3  }
0x1: {  	(tag) =	ssettag $0x0;
	lr =	simm.s32 $0x1  }
0x2: {  	[smem:$0x3F99] =	sst lr;
	_ =	strace $0xD0000000  }
0x3: {  	_ = 	snop  }
0x4: {  	_ = 	snop  }
0x5: {  	_ = 	snop  }
0x6: {  	_ = 	snop  }
0x7: {  	_ = 	snop  }
__scs_overlays_trampoline_lowered:
0x8: {  	[smem:$0x3FA8] =	sst s0  }
0x9: {  	[smem:$0x3FA9] =	sst s1  }
0xa: {  	[smem:$0x3FAA] =	sst s2  }
0xb: {  	[smem:$0x3FAB] =	sst s3  }
0xc: {  	[smem:$0x3FAC] =	sst s4  }
0xd: {  	[smem:$0x3FAD] =	sst s5  }
0xe: {  	[smem:$0x3FAE] =	sst s6  }
0xf: {  	[smem:$0x3FAF] =	sst s7  }
0x10: {  	[smem:$0x3FB0] =	sst s8  }
0x11: {  	[smem:$0x3FB1] =	sst s9;
	s0 =	simm.s32 @!p0 $0x0  }
0x12: {  	s1 =	sld [smem:$0x3F97];
	s0 =	simm.s32 @p0 $0x1  }
0x13: {  	[smem:$0x3FB2] =	sst s0;
	s0 =	simm.s32 @!p1 $0x0  }
0x14: {  	s2 =	sld [smem:$0x3F96];
	s0 =	simm.s32 @p1 $0x1  }
0x15: {  	[smem:$0x3FB3] =	sst s0;
	s0 =	simm.s32 @!p2 $0x0  }
0x16: {  	s3 =	sld [smem:$0x3FDB];
	s0 =	simm.s32 @p2 $0x1  }
0x17: {  	s4 =	simm.s32 $0x1BF5;
	[smem:$0x3FB5] =	sst s0  }
0x18: {  	s0 =	sld [smem:$0x3F98];
	_ =	swait.ge [sflag:s4], $0x0  }
0x19: {  	s7 =	sld [smem:$0x3F99]  }
0x1a: {  	s8 =	sadd.s32 $0xFFFFE003, lr  }
0x1b: {  	s9 =	sadd.s32 $0xFFFFFEF7, lr;
	s5 =	simm.s32 $0xFFFFFFFF;
	p2 =	slt.u32 s8, $0xFFFFF086  }
0x1c: {  	p1 =	slt.u32 s9, $0xF7A;
	s5 =	simm.s32 @!p2 $0x0  }
0x1d: {  	s5 =	simm.s32 @p1 $0x1;
	p0 =	seq.s32 s7, s2  }
0x1e: {  	s7 =	smul.u32 @!p0 $0xF7A, s2;
	p2 =	seq.s32 @!p0 s5, $0x0  }
0x1f: {  	s9 =	smul.u32 $0xF7A, s1;
	s8 =	simm.s32 @!p0 $0x1BF5;
	p2 =	por !p2, p0  }
0x20: {  	[sflag:s8] =	ssyncset.s32 @!p0 $0xFFFFF086;
	s6 =	sadd.s32 @!p0 s3, s7;
	s7 =	simm.s32 @!p0 $0x108  }
0x21: {  	s3 =	sadd.s32 s3, s9;
	s6 =	sadd.s32 @!p0 $0x88, s6;
	s7 =	simm.s32 @p2 $0x1082  }
0x22: {  	[simem:s7], [sflag:s8] =	dma.local @!p0 [hbm:s6], $0xF7A  }
0x23: {  	s9 =	sor.u32 $0xD0000000, s2;
	s6 =	simm.s32 $0x108;
	_ =	swait.ge @!p0 [sflag:s8], $0x0  }
0x24: {  	s3 =	sadd.s32 $0x88, s3;
	s6 =	simm.s32 @!p1 $0x1082;
	[sflag:s4] =	ssyncset.s32 $0xFFFFF086  }
0x25: {  	[simem:s6], [sflag:s4] =	dma.local [hbm:s3], $0xF7A  }
0x26: {  	[smem:$0x3F99] =	sst s1;
	(tag) =	ssettag s2;
	_ =	strace s9  }
0x27: {  	s1 =	sld [smem:$0x3FA9]  }
0x28: {  	s2 =	sld [smem:$0x3FAA]  }
0x29: {  	s4 =	sld [smem:$0x3FAC]  }
0x2a: {  	p0 =	seq.s32 s5, $0x0;
	s5 =	sld [smem:$0x3FAD]  }
0x2b: {  	s6 =	sld [smem:$0x3FAE]  }
0x2c: {  	s7 =	sld [smem:$0x3FAF]  }
0x2d: {  	s3 =	simm.s32 $0x108;
	s8 =	sld [smem:$0x3FB0]  }
0x2e: {  	s3 =	simm.s32 @!p0 $0x1082;
	s9 =	sld [smem:$0x3FB1]  }
0x2f: {  	lr =	sadd.s32 s0, s3;
	s0 =	sld [smem:$0x3FA8]  }
0x30: {  	s3 =	sld [smem:$0x3FAB]  }
0x31: {  	[smem:$0x3FB4] =	sst s10  }
0x32: {  	s10 =	sld [smem:$0x3FB2];
	_ =	sdelay $0x3  }
0x33: {  	p0 =	seq.s32 s10, $0x1;
	s10 =	sld [smem:$0x3FB4];
	_ =	sdelay $0x3  }
0x34: {  	[smem:$0x3FB4] =	sst s10  }
0x35: {  	s10 =	sld [smem:$0x3FB3];
	_ =	sdelay $0x3  }
0x36: {  	p1 =	seq.s32 s10, $0x1;
	s10 =	sld [smem:$0x3FB4];
	_ =	sdelay $0x3  }
0x37: {  	[smem:$0x3FB4] =	sst s10  }
0x38: {  	s10 =	sld [smem:$0x3FB5]  }
0x39: {  	_ = 	snop;
	(pc) =	sbr.ind lr, $3  }
0x3a: {  	_ = 	snop  }
0x3b: {  	_ = 	snop  }
0x3c: {  	p2 =	seq.s32 s10, $0x1;
	s10 =	sld [smem:$0x3FB4]  }
0x3d: {  	_ =	shalt  }
0x3e: {  	_ =	shalt  }
0x3f: {  	_ =	shalt  }
0x40: {  	_ =	shalt  }
0x41: {  	_ =	shalt  }
0x42: {  	_ =	shalt  }
0x43: {  	_ =	shalt  }
0x44: {  	_ =	shalt  }
0x45: {  	_ =	shalt  }
0x46: {  	_ =	shalt  }
0x47: {  	_ =	shalt  }
0x48: {  	_ =	shalt  }
0x49: {  	_ =	shalt  }
0x4a: {  	_ =	shalt  }
0x4b: {  	_ =	shalt  }
0x4c: {  	_ =	shalt  }
0x4d: {  	_ =	shalt  }
0x4e: {  	_ =	shalt  }
0x4f: {  	_ =	shalt  }
0x50: {  	_ =	shalt  }
0x51: {  	_ =	shalt  }
0x52: {  	_ =	shalt  }
0x53: {  	_ =	shalt  }
0x54: {  	_ =	shalt  }
0x55: {  	_ =	shalt  }
0x56: {  	_ =	shalt  }
0x57: {  	_ =	shalt  }
0x58: {  	_ =	shalt  }
0x59: {  	_ =	shalt  }
0x5a: {  	_ =	shalt  }
0x5b: {  	_ =	shalt  }
0x5c: {  	_ =	shalt  }
0x5d: {  	_ =	shalt  }
0x5e: {  	_ =	shalt  }
0x5f: {  	_ =	shalt  }
0x60: {  	_ =	shalt  }
0x61: {  	_ =	shalt  }
0x62: {  	_ =	shalt  }
0x63: {  	_ =	shalt  }
0x64: {  	_ =	shalt  }
0x65: {  	_ =	shalt  }
0x66: {  	_ =	shalt  }
0x67: {  	_ =	shalt  }
0x68: {  	_ =	shalt  }
0x69: {  	_ =	shalt  }
0x6a: {  	_ =	shalt  }
0x6b: {  	_ =	shalt  }
0x6c: {  	_ =	shalt  }
0x6d: {  	_ =	shalt  }
0x6e: {  	_ =	shalt  }
0x6f: {  	_ =	shalt  }
0x70: {  	_ =	shalt  }
0x71: {  	_ =	shalt  }
0x72: {  	_ =	shalt  }
0x73: {  	_ =	shalt  }
0x74: {  	_ =	shalt  }
0x75: {  	_ =	shalt  }
0x76: {  	_ =	shalt  }
0x77: {  	_ =	shalt  }
0x78: {  	_ =	shalt  }
0x79: {  	_ =	shalt  }
0x7a: {  	_ =	shalt  }
0x7b: {  	_ =	shalt  }
0x7c: {  	_ =	shalt  }
0x7d: {  	_ =	shalt  }
0x7e: {  	_ =	shalt  }
0x7f: {  	_ =	shalt  }
0x80: {  	_ =	shalt  }
0x81: {  	_ =	shalt  }
0x82: {  	_ =	shalt  }
0x83: {  	_ =	shalt  }
0x84: {  	_ =	shalt  }
0x85: {  	_ =	shalt  }
0x86: {  	_ =	shalt  }
0x87: {  	_ =	shalt  }
.Lfunc_end0:
.L_simem_size_0:
called_computation_lowered:
.L_overlay_start_0:
0x88: {  	s2 =	sld [smem:$0x3FD9]  }
0x89: {  	s3 =	sld [smem:$0x3FFE];
	_ =	sdelay $0x1  }
0x8a: {  	s1 =	srdreg.scid  }
0x8b: {  	s0 =	sand.u32 $0x1, s1  }
0x8c: {  	s17 =	sshll.u32 s0, $0xA;
	s2 =	sadd.s32 s3, s2  }
0x8d: {  	s2 =	sadd.s32 s2, s17  }
0x8e: {  	[smem:$0x3FC0] =	sst s2  }
0x8f: {  	_ = 	snop  }
0x90: {  	s2 =	sld [smem:$0x3FD0];
	(tm) =	ssettm $0x1  }
0x91: {  	s18 =	sld [smem:$0x3FFB];
	_ =	sdelay $0x3  }
0x92: {  	_ =	strace s18  }
0x93: {  	s3 =	sld [smem:$0x3FFC];
	_ =	sdelay $0x3  }
0x94: {  	_ =	strace s3  }
0x95: {  	s3 =	sld [smem:$0x3FFD];
	_ =	sdelay $0x3  }
0x96: {  	_ =	strace s3  }
0x97: {  	_ =	strace $0x8FFFFFFF  }
0x98: {  	s19 =	sld [smem:$0x3FDB];
	_ =	sdelay $0x1  }
0x99: {  	s4 =	simm.s32 $_scs_section_size  }
0x9a: {  	s5 =	simm.s32 $_size__tile_overlayer_lowered;
	s6 =	simm.s32 $_tile_overlayer_lowered  }
0x9b: {  	s22 =	simm.s32 $0x1BFF;
	s21 =	sshll.u32 s6, $0x1;
	s3 =	sadd.s32 s4, s19  }
0x9c: {  	s7 =	simm.s32 $0x0;
	s20 =	sshll.u32 s5, $0x1;
	s5 =	sadd.s32 s21, s3  }
0x9d: {  	[timem:s7], [sflag:s22] =	dma.local [hbm:s5], s20  }
0x9e: {  	_ =	swait.ge [sflag:s22], s20  }
0x9f: {  	s4 =	ssub.s32 $0x0, s20;
	[sflag:s22] =	ssyncset.done $0x0  }
0xa0: {  	[sflag:s22] =	ssyncadd.s32 s4;
	_ =	sdelay $0x1  }
0xa1: {  	s23 =	simm.s32 $0x1B8B  }
0xa2: {  	_ =	swait.ge [sflag:s23], $0x1  }
0xa3: {  	[sflag:s23] =	ssyncset.done $0x0  }
0xa4: {  	s25 =	simm.s32 $0x1B8E;
	s24 =	sld [smem:$0x3FFE];
	[sflag:s23] =	ssyncadd.s32 $0xFFFFFFFF  }
0xa5: {  	s26 =	simm.s32 $execute0_lowered;
	[smem:$0x3FD2] =	sst s25  }
0xa6: {  	s5 =	sshll.u32 s26, $0x1;
	_ =	strace $0x80000046;
	[dreg:$0x1] =	wrdreg $0xFFFFFFFF  }
0xa7: {  	s28 =	simm.s32 $_size_execute0_lowered;
	s3 =	sadd.s32 s3, s5;
	[dreg:$0x0] =	wrdreg $0x0  }
0xa8: {  	s5 =	sshll.u32 s28, $0x1;
	[dreg:$0x2] =	wrdreg s3  }
0xa9: {  	[dreg:$0x3] =	wrdreg s5  }
0xaa: {  	[dreg:$0x4] =	wrdreg $0xC0  }
0xab: {  	_ =	task [dreg:s7], $0x5FFFF  }
0xac: {  	[dreg:$0x1] =	wrdreg $0xFFFFFFFF  }
0xad: {  	[dreg:$0x0] =	wrdreg $0x60  }
0xae: {  	[dreg:$0x2] =	wrdreg s24  }
0xaf: {  	[dreg:$0x3] =	wrdreg s2  }
0xb0: {  	[dreg:$0x4] =	wrdreg $0x4C000  }
0xb1: {  	[dreg:$0x5] =	wrdreg $0x9  }
0xb2: {  	_ =	task.clear_ibuf [dreg:s7], $0x6FFFF;
	_ =	strace $0x90000046  }
0xb3: {  	s29 =	simm.s32 $0x9;
	_ =	strace $0x80000048  }
0xb4: {  	_ =	swait.ge [sflag:s29], $0x1  }
0xb5: {  	[sflag:s29] =	ssyncadd.s32 $0xFFFFFFFF  }
0xb6: {  	_ =	strace $0x90000048  }
0xb7: {  	_ =	sfence  }
0xb8: {  	s30 =	sld [smem:$0x0];
	_ =	sdelay $0x2  }
0xb9: {  	s31 =	sshll.u32 s1, $0xD;
	s1 =	sshrl.u32 s1, $0x2  }
0xba: {  	s3 =	sand.u32 $0x4000, s31;
	s1 =	sadd.s32 s1, s30  }
0xbb: {  	s0 =	sor.u32 s3, s0;
	s1 =	sshll.u32 s1, $0x11  }
0xbc: {  	s0 =	sor.u32 s1, s0  }
0xbd: {  	s0 =	sadd.s32 $0x8F2B, s0  }
0xbe: {  	[sflag:s0] =	ssyncadd.remote.s32 $0x1  }
0xbf: {  	_ =	sfence.sel $0xFFFF  }
0xc0: {  	[dreg:$0x0] =	wrdreg $0xFFFFFFFF;
	(pc) =	sbr.abs _section_cstart, $3  }
0xc1: {  	[dreg:$0x1] =	wrdreg $0xFFFFFFFF  }
0xc2: {  	_ =	task.clear_ibuf [dreg:s7], $0x2FFFF;
	_ =	strace $0x9FFFFFFF  }
0xc3: {  	(tm) =	ssettm $0x7FFFFFFF  }
tec
execute0_lowered:
.L_overlay_start_1:
0x0: {  	(tag) =	ssettag $0x1  }
0x1: {  	s0 =	rddreg [dreg:$0x0]  }
0x2: {  	s1 =	rddreg [dreg:$0x1]  }
0x3: {  	s3 =	srdreg.scid;
	s12 =	stileid.u32  }
0x4: {  	s2 =	rddreg [dreg:$0x2];
	s24 =	simm.s32 $0x40;
	s26 =	simm.s32 $0x60  }
0x5: {  	s13 =	simm.s32 $0xA0;
	s14 =	simm.s32 $0xC0;
	s15 =	simm.s32 $0xE0  }
0x6: {  	s16 =	simm.s32 $0x280;
	s17 =	simm.s32 $0x2A0;
	s18 =	simm.s32 $0x2C0  }
0x7: {  	s5 =	sand.u32 $0x1, s3;
	s4 =	smul.u32 $0x5000, s12;
	s3 =	simm.s32 $0x0  }
0x8: {  	s19 =	simm.s32 $0x2E0;
	s7 =	smul.u32 $0x16380, s12;
	[smem:$0x7FF] =	sst s3  }
0x9: {  	s8 =	smul.u32 $0x2C70, s12;
	_ =	strace $0x80000047;
	[dreg:$0x6] =	wrdreg s24  }
0xa: {  	s25 =	sshll.u32 s12, $0x6;
	s12 =	simm.s32 $0x80;
	[dreg:$0x7] =	wrdreg s26  }
0xb: {  	s20 =	simm.s32 $0x100;
	s28 =	simm.s32 $0x1A0;
	[dreg:$0xb] =	wrdreg s12  }
0xc: {  	s29 =	simm.s32 $0x1C0;
	s30 =	simm.s32 $0x1E0;
	[dreg:$0xc] =	wrdreg s13  }
0xd: {  	s31 =	simm.s32 $0x380;
	s6 =	smul.u32 $0x2800, s5;
	[dreg:$0xd] =	wrdreg s14  }
0xe: {  	s9 =	smul.u32 $0x2C700, s5;
	s5 =	ssub.s32 $0x2, s5;
	[dreg:$0xe] =	wrdreg s15  }
0xf: {  	s11 =	sshrl.u32 s7, $0x3;
	s21 =	sshrl.u32 s5, $0x1;
	[dreg:$0xf] =	wrdreg s16  }
0x10: {  	s7 =	sadd.s32 s7, s2;
	s12 =	simm.s32 $0x20;
	[dreg:$0x10] =	wrdreg s17  }
0x11: {  	s13 =	simm.s32 $0x400;
	s14 =	simm.s32 $0x1600;
	[dreg:$0x11] =	wrdreg s18  }
0x12: {  	s15 =	simm.s32 $0x2800;
	s16 =	simm.s32 $0x3A00;
	[dreg:$0x12] =	wrdreg s19  }
0x13: {  	s17 =	simm.s32 $0x1;
	s18 =	simm.s32 $0x2;
	[dreg:$0x13] =	wrdreg s20  }
0x14: {  	s19 =	simm.s32 $0x3;
	s20 =	simm.s32 $0x4;
	s24 =	simm.s32 $0x300  }
0x15: {  	s26 =	simm.s32 $0x340;
	s6 =	sadd.s32 s6, s4;
	s4 =	sadd.s32 $0xC000, s0  }
0x16: {  	s11 =	sadd.s32 s11, s0;
	s8 =	sadd.s32 s8, s9;
	[dreg:$0x17] =	wrdreg s24  }
0x17: {  	s5 =	ssub.s32 s5, s21;
	s9 =	simm.s32 $0x240;
	[dreg:$0x19] =	wrdreg s26  }
0x18: {  	s7 =	sshrl.u32 s7, $0x3;
	s21 =	simm.s32 $0x120;
	[dreg:$0x9] =	wrdreg s9  }
0x19: {  	s24 =	simm.s32 $0x8;
	s26 =	simm.s32 $0x180;
	[dreg:$0x14] =	wrdreg s21  }
0x1a: {  	s6 =	sshrl.u32 s6, $0x3;
	s23 =	sadd.s32 $0x38800, s11;
	[dreg:$0x1e] =	wrdreg s7  }
0x1b: {  	s11 =	simm.s32 $0x260;
	s21 =	simm.s32 $0x5;
	[dreg:$0x1a] =	wrdreg s23  }
0x1c: {  	s9 =	simm.s32 $0x0;
	s1 =	sadd.s32 s6, s1;
	[dreg:$0xa] =	wrdreg s11  }
0x1d: {  	s10 =	sadd.s32 s6, s0;
	s6 =	simm.s32 $0x220;
	[dreg:$0x5] =	wrdreg s1  }
0x1e: {  	s0 =	sadd.s32 s8, s0;
	s23 =	simm.s32 $0x160;
	[dreg:$0x8] =	wrdreg s6  }
0x1f: {  	s8 =	sor.u32 $0x1C09, s25;
	s25 =	simm.s32 $0x320;
	[dreg:$0x16] =	wrdreg s23  }
0x20: {  	s11 =	simm.s32 $0x200;
	s22 =	sadd.s32 $0x2000, s10;
	[dreg:$0x18] =	wrdreg s25  }
0x21: {  	s0 =	sadd.s32 $0x65000, s0;
	s10 =	smax.u32 s5, $0x1;
	[dreg:$0x1b] =	wrdreg s8  }
0x22: {  	s23 =	simm.s32 $0x7;
	s25 =	simm.s32 $0x360;
	[dreg:$0x4] =	wrdreg s22  }
0x23: {  	s1 =	simm.s32 $0x3A0;
	s5 =	simm.s32 $0x3E0;
	[dreg:$0x1c] =	wrdreg s0  }
0x24: {  	[dreg:$0x1d] =	wrdreg s10;
	s10 =	simm.s32 $0x9;
	s22 =	simm.s32 $0x140  }
0x25: {  	s0 =	simm.s32 $0x3C0;
	[dreg:$0x15] =	wrdreg s22;
	s22 =	simm.s32 $0x6  }
.LBB2_1:
0x26: {  	[dreg:$0x1f] =	wrdreg s9  }
0x27: {  	s6 =	rddreg [dreg:$0x1a]  }
0x28: {  	[spmem:s7], [sflag:s8] =	dma.local [hbm:s6], $0x2C70  }
0x29: {  	_ =	swait.ge [sflag:s10], $0x2C70  }
0x2a: {  	[sflag:s10] =	ssyncset.done $0x0  }
0x2b: {  	[sflag:s10] =	ssyncadd.s32 $0xFFFFD390  }
0x2c: {  	[bflag:$0x0] =	sbarrier.arrive $0xFFFF  }
0x2d: {  	s9 =	rddreg [dreg:$0x5]  }
0x2e: {  	s6 =	sadd.s32 $0x0, s9  }
0x2f: {  	[tilespmem:s3], [sflag:$0x9] =	stream.linear.gather [hbm4b:s6+s3], $0x200, $0x38;
	[tilespmem:$0x1AF80] =	vst v63  }
0x30: {  	_ =	swait.ge [sflag:s10], $0x200  }
0x31: {  	s7 =	rddreg [dreg:$0x4];
	[sflag:s10] =	ssyncset.done $0x0  }
0x32: {  	[sflag:s10] =	ssyncadd.s32 $0xFFFFFE00;
	s6 =	sadd.s32 $0x0, s7  }
0x33: {  	[tilespmem:s11], [sflag:$0x9] =	stream.linear.gather [hbm4b:s6+s3], $0x200, $0x38;
	[tilespmem:$0x1AF80] =	vst v63  }
0x34: {  	_ =	swait.ge [sflag:s10], $0x200  }
0x35: {  	[sflag:s10] =	ssyncset.done $0x0  }
0x36: {  	[sflag:s10] =	ssyncadd.s32 $0xFFFFFE00  }
0x37: {  	[tilespmem:s13], [sflag:$0x1] =	stream.indirect.gather [hbm4b:s4+s12], $0x90, s3, s12, $0xb8;
	[tilespmem:$0x1AF80] =	vst v63  }
0x38: {  	_ = 	snop  }
0x39: {  	[tilespmem:s14], [sflag:$0x2] =	stream.indirect.gather [hbm4b:s4+s12], $0x90, s12, s12, $0xb8;
	[tilespmem:$0x1AF80] =	vst v63  }
0x3a: {  	s8 =	rddreg [dreg:$0x6]  }
0x3b: {  	[tilespmem:s15], [sflag:$0x3] =	stream.indirect.gather [hbm4b:s4+s12], $0x90, s8, s12, $0xb8;
	[tilespmem:$0x1AF80] =	vst v63  }
0x3c: {  	s9 =	rddreg [dreg:$0x7]  }
0x3d: {  	[tilespmem:s16], [sflag:$0x4] =	stream.indirect.gather [hbm4b:s4+s12], $0x90, s9, s12, $0xb8;
	[tilespmem:$0x1AF80] =	vst v63  }
0x3e: {  	_ =	swait.ge [sflag:s17], $0x1200  }
0x3f: {  	[sflag:s17] =	ssyncset.done $0x0  }
0x40: {  	[sflag:s17] =	ssyncadd.s32 $0xFFFFEE00  }
0x41: {  	[spmem:s2] =	stream.indirect.scatter.add.f32 [tilespmem:s13], [sflag:$0x5], $0x90, s11, s12, $0xb8;
	[tilespmem:$0x1AF80] =	vst v63  }
0x42: {  	_ =	swait.ge [sflag:s18], $0x1200  }
0x43: {  	[sflag:s18] =	ssyncset.done $0x0  }
0x44: {  	s7 =	rddreg [dreg:$0x8];
	[sflag:s18] =	ssyncadd.s32 $0xFFFFEE00  }
0x45: {  	[spmem:s2] =	stream.indirect.scatter.add.f32 [tilespmem:s14], [sflag:$0x6], $0x90, s7, s12, $0xb8;
	[tilespmem:$0x1AF80] =	vst v63  }
0x46: {  	_ =	swait.ge [sflag:s19], $0x1200  }
0x47: {  	[sflag:s19] =	ssyncset.done $0x0  }
0x48: {  	s8 =	rddreg [dreg:$0x9];
	[sflag:s19] =	ssyncadd.s32 $0xFFFFEE00  }
0x49: {  	[spmem:s2] =	stream.indirect.scatter.add.f32 [tilespmem:s15], [sflag:$0x7], $0x90, s8, s12, $0xb8;
	[tilespmem:$0x1AF80] =	vst v63  }
0x4a: {  	_ =	swait.ge [sflag:s20], $0x1200  }
0x4b: {  	[sflag:s20] =	ssyncset.done $0x0  }
0x4c: {  	s9 =	rddreg [dreg:$0xa];
	[sflag:s20] =	ssyncadd.s32 $0xFFFFEE00  }
0x4d: {  	[spmem:s2] =	stream.indirect.scatter.add.f32 [tilespmem:s16], [sflag:$0x8], $0x90, s9, s12, $0xb8;
	[tilespmem:$0x1AF80] =	vst v63  }
0x4e: {  	_ =	swait.ge [sflag:s21], $0x1200  }
0x4f: {  	[sflag:s21] =	ssyncset.done $0x0  }
0x50: {  	s7 =	rddreg [dreg:$0xb];
	[sflag:s21] =	ssyncadd.s32 $0xFFFFEE00  }
0x51: {  	[tilespmem:s13], [sflag:$0x1] =	stream.indirect.gather [hbm4b:s4+s12], $0x90, s7, s12, $0xb8;
	[tilespmem:$0x1AF80] =	vst v63  }
0x52: {  	_ =	swait.ge [sflag:s22], $0x1200  }
0x53: {  	[sflag:s22] =	ssyncset.done $0x0  }
0x54: {  	s8 =	rddreg [dreg:$0xc];
	[sflag:s22] =	ssyncadd.s32 $0xFFFFEE00  }
0x55: {  	[tilespmem:s14], [sflag:$0x2] =	stream.indirect.gather [hbm4b:s4+s12], $0x90, s8, s12, $0xb8;
	[tilespmem:$0x1AF80] =	vst v63  }
0x56: {  	_ =	swait.ge [sflag:s23], $0x1200  }
0x57: {  	[sflag:s23] =	ssyncset.done $0x0  }
0x58: {  	s9 =	rddreg [dreg:$0xd];
	[sflag:s23] =	ssyncadd.s32 $0xFFFFEE00  }
0x59: {  	[tilespmem:s15], [sflag:$0x3] =	stream.indirect.gather [hbm4b:s4+s12], $0x90, s9, s12, $0xb8;
	[tilespmem:$0x1AF80] =	vst v63  }
0x5a: {  	_ =	swait.ge [sflag:s24], $0x1200  }
0x5b: {  	[sflag:s24] =	ssyncset.done $0x0  }
0x5c: {  	s7 =	rddreg [dreg:$0xe];
	[sflag:s24] =	ssyncadd.s32 $0xFFFFEE00  }
0x5d: {  	[tilespmem:s16], [sflag:$0x4] =	stream.indirect.gather [hbm4b:s4+s12], $0x90, s7, s12, $0xb8;
	[tilespmem:$0x1AF80] =	vst v63  }
0x5e: {  	_ =	swait.ge [sflag:s17], $0x1200  }
0x5f: {  	[sflag:s17] =	ssyncset.done $0x0  }
0x60: {  	s8 =	rddreg [dreg:$0xf];
	[sflag:s17] =	ssyncadd.s32 $0xFFFFEE00  }
0x61: {  	[spmem:s2] =	stream.indirect.scatter.add.f32 [tilespmem:s13], [sflag:$0x5], $0x90, s8, s12, $0xb8;
	[tilespmem:$0x1AF80] =	vst v63  }
0x62: {  	_ =	swait.ge [sflag:s18], $0x1200  }
0x63: {  	[sflag:s18] =	ssyncset.done $0x0  }
0x64: {  	s9 =	rddreg [dreg:$0x10];
	[sflag:s18] =	ssyncadd.s32 $0xFFFFEE00  }
0x65: {  	[spmem:s2] =	stream.indirect.scatter.add.f32 [tilespmem:s14], [sflag:$0x6], $0x90, s9, s12, $0xb8;
	[tilespmem:$0x1AF80] =	vst v63  }
0x66: {  	_ =	swait.ge [sflag:s19], $0x1200  }
0x67: {  	[sflag:s19] =	ssyncset.done $0x0  }
0x68: {  	s7 =	rddreg [dreg:$0x11];
	[sflag:s19] =	ssyncadd.s32 $0xFFFFEE00  }
0x69: {  	[spmem:s2] =	stream.indirect.scatter.add.f32 [tilespmem:s15], [sflag:$0x7], $0x90, s7, s12, $0xb8;
	[tilespmem:$0x1AF80] =	vst v63  }
0x6a: {  	_ =	swait.ge [sflag:s20], $0x1200  }
0x6b: {  	[sflag:s20] =	ssyncset.done $0x0  }
0x6c: {  	s8 =	rddreg [dreg:$0x12];
	[sflag:s20] =	ssyncadd.s32 $0xFFFFEE00  }
0x6d: {  	[spmem:s2] =	stream.indirect.scatter.add.f32 [tilespmem:s16], [sflag:$0x8], $0x90, s8, s12, $0xb8;
	[tilespmem:$0x1AF80] =	vst v63  }
0x6e: {  	_ =	swait.ge [sflag:s21], $0x1200  }
0x6f: {  	[sflag:s21] =	ssyncset.done $0x0  }
0x70: {  	s9 =	rddreg [dreg:$0x13];
	[sflag:s21] =	ssyncadd.s32 $0xFFFFEE00  }
0x71: {  	[tilespmem:s13], [sflag:$0x1] =	stream.indirect.gather [hbm4b:s4+s12], $0x90, s9, s12, $0xb8;
	[tilespmem:$0x1AF80] =	vst v63  }
0x72: {  	_ =	swait.ge [sflag:s22], $0x1200  }
0x73: {  	[sflag:s22] =	ssyncset.done $0x0  }
0x74: {  	s7 =	rddreg [dreg:$0x14];
	[sflag:s22] =	ssyncadd.s32 $0xFFFFEE00  }
0x75: {  	[tilespmem:s14], [sflag:$0x2] =	stream.indirect.gather [hbm4b:s4+s12], $0x90, s7, s12, $0xb8;
	[tilespmem:$0x1AF80] =	vst v63  }
0x76: {  	_ =	swait.ge [sflag:s23], $0x1200  }
0x77: {  	[sflag:s23] =	ssyncset.done $0x0  }
0x78: {  	s8 =	rddreg [dreg:$0x15];
	[sflag:s23] =	ssyncadd.s32 $0xFFFFEE00  }
0x79: {  	[tilespmem:s15], [sflag:$0x3] =	stream.indirect.gather [hbm4b:s4+s12], $0x90, s8, s12, $0xb8;
	[tilespmem:$0x1AF80] =	vst v63  }
0x7a: {  	_ =	swait.ge [sflag:s24], $0x1200  }
0x7b: {  	[sflag:s24] =	ssyncset.done $0x0  }
0x7c: {  	s9 =	rddreg [dreg:$0x16];
	[sflag:s24] =	ssyncadd.s32 $0xFFFFEE00  }
0x7d: {  	[tilespmem:s16], [sflag:$0x4] =	stream.indirect.gather [hbm4b:s4+s12], $0x90, s9, s12, $0xb8;
	[tilespmem:$0x1AF80] =	vst v63  }
0x7e: {  	_ =	swait.ge [sflag:s17], $0x1200  }
0x7f: {  	[sflag:s17] =	ssyncset.done $0x0  }
0x80: {  	s7 =	rddreg [dreg:$0x17];
	[sflag:s17] =	ssyncadd.s32 $0xFFFFEE00  }
0x81: {  	[spmem:s2] =	stream.indirect.scatter.add.f32 [tilespmem:s13], [sflag:$0x5], $0x90, s7, s12, $0xb8;
	[tilespmem:$0x1AF80] =	vst v63  }
0x82: {  	_ =	swait.ge [sflag:s18], $0x1200  }
0x83: {  	[sflag:s18] =	ssyncset.done $0x0  }
0x84: {  	s8 =	rddreg [dreg:$0x18];
	[sflag:s18] =	ssyncadd.s32 $0xFFFFEE00  }
0x85: {  	[spmem:s2] =	stream.indirect.scatter.add.f32 [tilespmem:s14], [sflag:$0x6], $0x90, s8, s12, $0xb8;
	[tilespmem:$0x1AF80] =	vst v63  }
0x86: {  	_ =	swait.ge [sflag:s19], $0x1200  }
0x87: {  	[sflag:s19] =	ssyncset.done $0x0  }
0x88: {  	s9 =	rddreg [dreg:$0x19];
	[sflag:s19] =	ssyncadd.s32 $0xFFFFEE00  }
0x89: {  	[spmem:s2] =	stream.indirect.scatter.add.f32 [tilespmem:s15], [sflag:$0x7], $0x90, s9, s12, $0xb8;
	[tilespmem:$0x1AF80] =	vst v63  }
0x8a: {  	_ =	swait.ge [sflag:s20], $0x1200  }
0x8b: {  	[sflag:s20] =	ssyncset.done $0x0  }
0x8c: {  	[sflag:s20] =	ssyncadd.s32 $0xFFFFEE00  }
0x8d: {  	[spmem:s2] =	stream.indirect.scatter.add.f32 [tilespmem:s16], [sflag:$0x8], $0x90, s25, s12, $0xb8;
	[tilespmem:$0x1AF80] =	vst v63  }
0x8e: {  	_ =	swait.ge [sflag:s21], $0x1200  }
0x8f: {  	[sflag:s21] =	ssyncset.done $0x0  }
0x90: {  	[sflag:s21] =	ssyncadd.s32 $0xFFFFEE00  }
0x91: {  	[tilespmem:s13], [sflag:$0x1] =	stream.indirect.gather [hbm4b:s4+s12], $0x90, s26, s12, $0xb8;
	[tilespmem:$0x1AF80] =	vst v63  }
0x92: {  	_ =	swait.ge [sflag:s22], $0x1200  }
0x93: {  	[sflag:s22] =	ssyncset.done $0x0  }
0x94: {  	[sflag:s22] =	ssyncadd.s32 $0xFFFFEE00  }
0x95: {  	[tilespmem:s14], [sflag:$0x2] =	stream.indirect.gather [hbm4b:s4+s12], $0x90, s28, s12, $0xb8;
	[tilespmem:$0x1AF80] =	vst v63  }
0x96: {  	_ =	swait.ge [sflag:s23], $0x1200  }
0x97: {  	[sflag:s23] =	ssyncset.done $0x0  }
0x98: {  	[sflag:s23] =	ssyncadd.s32 $0xFFFFEE00  }
0x99: {  	[tilespmem:s15], [sflag:$0x3] =	stream.indirect.gather [hbm4b:s4+s12], $0x90, s29, s12, $0xb8;
	[tilespmem:$0x1AF80] =	vst v63  }
0x9a: {  	_ =	swait.ge [sflag:s24], $0x1200  }
0x9b: {  	[sflag:s24] =	ssyncset.done $0x0  }
0x9c: {  	[sflag:s24] =	ssyncadd.s32 $0xFFFFEE00  }
0x9d: {  	[tilespmem:s16], [sflag:$0x4] =	stream.indirect.gather [hbm4b:s4+s12], $0x90, s30, s12, $0xb8;
	[tilespmem:$0x1AF80] =	vst v63  }
0x9e: {  	_ =	swait.ge [sflag:s17], $0x1200  }
0x9f: {  	[sflag:s17] =	ssyncset.done $0x0  }
0xa0: {  	[sflag:s17] =	ssyncadd.s32 $0xFFFFEE00  }
0xa1: {  	[spmem:s2] =	stream.indirect.scatter.add.f32 [tilespmem:s13], [sflag:$0x5], $0x90, s31, s12, $0xb8;
	[tilespmem:$0x1AF80] =	vst v63  }
0xa2: {  	_ =	swait.ge [sflag:s18], $0x1200  }
0xa3: {  	[sflag:s18] =	ssyncset.done $0x0  }
0xa4: {  	[sflag:s18] =	ssyncadd.s32 $0xFFFFEE00  }
0xa5: {  	[spmem:s2] =	stream.indirect.scatter.add.f32 [tilespmem:s14], [sflag:$0x6], $0x90, s1, s12, $0xb8;
	[tilespmem:$0x1AF80] =	vst v63  }
0xa6: {  	_ =	swait.ge [sflag:s19], $0x1200  }
0xa7: {  	[sflag:s19] =	ssyncset.done $0x0  }
0xa8: {  	[sflag:s19] =	ssyncadd.s32 $0xFFFFEE00  }
0xa9: {  	[spmem:s2] =	stream.indirect.scatter.add.f32 [tilespmem:s15], [sflag:$0x7], $0x90, s0, s12, $0xb8;
	[tilespmem:$0x1AF80] =	vst v63  }
0xaa: {  	_ =	swait.ge [sflag:s20], $0x1200  }
0xab: {  	[sflag:s20] =	ssyncset.done $0x0  }
0xac: {  	[sflag:s20] =	ssyncadd.s32 $0xFFFFEE00  }
0xad: {  	[spmem:s2] =	stream.indirect.scatter.add.f32 [tilespmem:s16], [sflag:$0x8], $0x90, s5, s12, $0xb8;
	[tilespmem:$0x1AF80] =	vst v63  }
0xae: {  	_ =	swait.ge [sflag:s21], $0x1200  }
0xaf: {  	[sflag:s21] =	ssyncset.done $0x0  }
0xb0: {  	[sflag:s21] =	ssyncadd.s32 $0xFFFFEE00  }
0xb1: {  	_ =	swait.ge [sflag:s22], $0x1200  }
0xb2: {  	[sflag:s22] =	ssyncset.done $0x0  }
0xb3: {  	[sflag:s22] =	ssyncadd.s32 $0xFFFFEE00  }
0xb4: {  	_ =	swait.ge [sflag:s23], $0x1200  }
0xb5: {  	[sflag:s23] =	ssyncset.done $0x0  }
0xb6: {  	[sflag:s23] =	ssyncadd.s32 $0xFFFFEE00  }
0xb7: {  	s6 =	simm.s32 $0x80;
	_ =	swait.ge [sflag:s24], $0x1200  }
0xb8: {  	s8 =	simm.s32 $0x40;
	s9 =	rddreg [dreg:$0x5];
	[sflag:s24] =	ssyncset.done $0x0  }
.LBB2_2:
0xb9: {  	[sflag:s24] =	ssyncadd.s32 $0xFFFFEE00;
	s9 =	sadd.s32 s8, s9  }
0xba: {  	[tilespmem:s3], [sflag:$0x9] =	stream.linear.gather [hbm4b:s9+s3], $0x200, $0x38;
	[tilespmem:$0x1AF80] =	vst v63  }
0xbb: {  	_ =	swait.ge [sflag:s10], $0x200  }
0xbc: {  	s9 =	rddreg [dreg:$0x4];
	[sflag:s10] =	ssyncset.done $0x0  }
0xbd: {  	[sflag:s10] =	ssyncadd.s32 $0xFFFFFE00;
	s9 =	sadd.s32 s8, s9  }
0xbe: {  	[tilespmem:s11], [sflag:$0x9] =	stream.linear.gather [hbm4b:s9+s3], $0x200, $0x38;
	[tilespmem:$0x1AF80] =	vst v63  }
0xbf: {  	_ =	swait.ge [sflag:s10], $0x200  }
0xc0: {  	[sflag:s10] =	ssyncset.done $0x0  }
0xc1: {  	[sflag:s10] =	ssyncadd.s32 $0xFFFFFE00  }
0xc2: {  	[tilespmem:s13], [sflag:$0x1] =	stream.indirect.gather [hbm4b:s4+s12], $0x90, s3, s12, $0xb8;
	[tilespmem:$0x1AF80] =	vst v63  }
0xc3: {  	s7 =	smov.u32 s6  }
0xc4: {  	[tilespmem:s14], [sflag:$0x2] =	stream.indirect.gather [hbm4b:s4+s12], $0x90, s12, s12, $0xb8;
	[tilespmem:$0x1AF80] =	vst v63  }
0xc5: {  	s8 =	smov.u32 s7;
	s7 =	rddreg [dreg:$0x6]  }
0xc6: {  	[tilespmem:s15], [sflag:$0x3] =	stream.indirect.gather [hbm4b:s4+s12], $0x90, s7, s12, $0xb8;
	[tilespmem:$0x1AF80] =	vst v63  }
0xc7: {  	s9 =	rddreg [dreg:$0x7]  }
0xc8: {  	[tilespmem:s16], [sflag:$0x4] =	stream.indirect.gather [hbm4b:s4+s12], $0x90, s9, s12, $0xb8;
	[tilespmem:$0x1AF80] =	vst v63  }
0xc9: {  	_ =	swait.ge [sflag:s17], $0x1200  }
0xca: {  	[sflag:s17] =	ssyncset.done $0x0  }
0xcb: {  	[sflag:s17] =	ssyncadd.s32 $0xFFFFEE00  }
0xcc: {  	[spmem:s2] =	stream.indirect.scatter.add.f32 [tilespmem:s13], [sflag:$0x5], $0x90, s11, s12, $0xb8;
	[tilespmem:$0x1AF80] =	vst v63  }
0xcd: {  	_ =	swait.ge [sflag:s18], $0x1200  }
0xce: {  	[sflag:s18] =	ssyncset.done $0x0  }
0xcf: {  	s9 =	rddreg [dreg:$0x8];
	[sflag:s18] =	ssyncadd.s32 $0xFFFFEE00  }
0xd0: {  	[spmem:s2] =	stream.indirect.scatter.add.f32 [tilespmem:s14], [sflag:$0x6], $0x90, s9, s12, $0xb8;
	[tilespmem:$0x1AF80] =	vst v63  }
0xd1: {  	_ =	swait.ge [sflag:s19], $0x1200  }
0xd2: {  	[sflag:s19] =	ssyncset.done $0x0  }
0xd3: {  	s9 =	rddreg [dreg:$0x9];
	[sflag:s19] =	ssyncadd.s32 $0xFFFFEE00  }
0xd4: {  	[spmem:s2] =	stream.indirect.scatter.add.f32 [tilespmem:s15], [sflag:$0x7], $0x90, s9, s12, $0xb8;
	[tilespmem:$0x1AF80] =	vst v63  }
0xd5: {  	_ =	swait.ge [sflag:s20], $0x1200  }
0xd6: {  	[sflag:s20] =	ssyncset.done $0x0  }
0xd7: {  	s9 =	rddreg [dreg:$0xa];
	[sflag:s20] =	ssyncadd.s32 $0xFFFFEE00  }
0xd8: {  	[spmem:s2] =	stream.indirect.scatter.add.f32 [tilespmem:s16], [sflag:$0x8], $0x90, s9, s12, $0xb8;
	[tilespmem:$0x1AF80] =	vst v63  }
0xd9: {  	_ =	swait.ge [sflag:s21], $0x1200  }
0xda: {  	[sflag:s21] =	ssyncset.done $0x0  }
0xdb: {  	s9 =	rddreg [dreg:$0xb];
	[sflag:s21] =	ssyncadd.s32 $0xFFFFEE00  }
0xdc: {  	[tilespmem:s13], [sflag:$0x1] =	stream.indirect.gather [hbm4b:s4+s12], $0x90, s9, s12, $0xb8;
	[tilespmem:$0x1AF80] =	vst v63  }
0xdd: {  	_ =	swait.ge [sflag:s22], $0x1200  }
0xde: {  	[sflag:s22] =	ssyncset.done $0x0  }
0xdf: {  	s9 =	rddreg [dreg:$0xc];
	[sflag:s22] =	ssyncadd.s32 $0xFFFFEE00  }
0xe0: {  	[tilespmem:s14], [sflag:$0x2] =	stream.indirect.gather [hbm4b:s4+s12], $0x90, s9, s12, $0xb8;
	[tilespmem:$0x1AF80] =	vst v63  }
0xe1: {  	_ =	swait.ge [sflag:s23], $0x1200  }
0xe2: {  	[sflag:s23] =	ssyncset.done $0x0  }
0xe3: {  	s9 =	rddreg [dreg:$0xd];
	[sflag:s23] =	ssyncadd.s32 $0xFFFFEE00  }
0xe4: {  	[tilespmem:s15], [sflag:$0x3] =	stream.indirect.gather [hbm4b:s4+s12], $0x90, s9, s12, $0xb8;
	[tilespmem:$0x1AF80] =	vst v63  }
0xe5: {  	_ =	swait.ge [sflag:s24], $0x1200  }
0xe6: {  	[sflag:s24] =	ssyncset.done $0x0  }
0xe7: {  	s9 =	rddreg [dreg:$0xe];
	[sflag:s24] =	ssyncadd.s32 $0xFFFFEE00  }
0xe8: {  	[tilespmem:s16], [sflag:$0x4] =	stream.indirect.gather [hbm4b:s4+s12], $0x90, s9, s12, $0xb8;
	[tilespmem:$0x1AF80] =	vst v63  }
0xe9: {  	_ =	swait.ge [sflag:s17], $0x1200  }
0xea: {  	[sflag:s17] =	ssyncset.done $0x0  }
0xeb: {  	s9 =	rddreg [dreg:$0xf];
	[sflag:s17] =	ssyncadd.s32 $0xFFFFEE00  }
0xec: {  	[spmem:s2] =	stream.indirect.scatter.add.f32 [tilespmem:s13], [sflag:$0x5], $0x90, s9, s12, $0xb8;
	[tilespmem:$0x1AF80] =	vst v63  }
0xed: {  	_ =	swait.ge [sflag:s18], $0x1200  }
0xee: {  	[sflag:s18] =	ssyncset.done $0x0  }
0xef: {  	s9 =	rddreg [dreg:$0x10];
	[sflag:s18] =	ssyncadd.s32 $0xFFFFEE00  }
0xf0: {  	[spmem:s2] =	stream.indirect.scatter.add.f32 [tilespmem:s14], [sflag:$0x6], $0x90, s9, s12, $0xb8;
	[tilespmem:$0x1AF80] =	vst v63  }
0xf1: {  	_ =	swait.ge [sflag:s19], $0x1200  }
0xf2: {  	[sflag:s19] =	ssyncset.done $0x0  }
0xf3: {  	s9 =	rddreg [dreg:$0x11];
	[sflag:s19] =	ssyncadd.s32 $0xFFFFEE00  }
0xf4: {  	[spmem:s2] =	stream.indirect.scatter.add.f32 [tilespmem:s15], [sflag:$0x7], $0x90, s9, s12, $0xb8;
	[tilespmem:$0x1AF80] =	vst v63  }
0xf5: {  	_ =	swait.ge [sflag:s20], $0x1200  }
0xf6: {  	[sflag:s20] =	ssyncset.done $0x0  }
0xf7: {  	s9 =	rddreg [dreg:$0x12];
	[sflag:s20] =	ssyncadd.s32 $0xFFFFEE00  }
0xf8: {  	[spmem:s2] =	stream.indirect.scatter.add.f32 [tilespmem:s16], [sflag:$0x8], $0x90, s9, s12, $0xb8;
	[tilespmem:$0x1AF80] =	vst v63  }
0xf9: {  	_ =	swait.ge [sflag:s21], $0x1200  }
0xfa: {  	[sflag:s21] =	ssyncset.done $0x0  }
0xfb: {  	s9 =	rddreg [dreg:$0x13];
	[sflag:s21] =	ssyncadd.s32 $0xFFFFEE00  }
0xfc: {  	[tilespmem:s13], [sflag:$0x1] =	stream.indirect.gather [hbm4b:s4+s12], $0x90, s9, s12, $0xb8;
	[tilespmem:$0x1AF80] =	vst v63  }
0xfd: {  	_ =	swait.ge [sflag:s22], $0x1200  }
0xfe: {  	[sflag:s22] =	ssyncset.done $0x0  }
0xff: {  	s9 =	rddreg [dreg:$0x14];
	[sflag:s22] =	ssyncadd.s32 $0xFFFFEE00  }
0x100: {  	[tilespmem:s14], [sflag:$0x2] =	stream.indirect.gather [hbm4b:s4+s12], $0x90, s9, s12, $0xb8;
	[tilespmem:$0x1AF80] =	vst v63  }
0x101: {  	_ =	swait.ge [sflag:s23], $0x1200  }
0x102: {  	[sflag:s23] =	ssyncset.done $0x0  }
0x103: {  	s9 =	rddreg [dreg:$0x15];
	[sflag:s23] =	ssyncadd.s32 $0xFFFFEE00  }
0x104: {  	[tilespmem:s15], [sflag:$0x3] =	stream.indirect.gather [hbm4b:s4+s12], $0x90, s9, s12, $0xb8;
	[tilespmem:$0x1AF80] =	vst v63  }
0x105: {  	_ =	swait.ge [sflag:s24], $0x1200  }
0x106: {  	[sflag:s24] =	ssyncset.done $0x0  }
0x107: {  	s9 =	rddreg [dreg:$0x16];
	[sflag:s24] =	ssyncadd.s32 $0xFFFFEE00  }
0x108: {  	[tilespmem:s16], [sflag:$0x4] =	stream.indirect.gather [hbm4b:s4+s12], $0x90, s9, s12, $0xb8;
	[tilespmem:$0x1AF80] =	vst v63  }
0x109: {  	_ =	swait.ge [sflag:s17], $0x1200  }
0x10a: {  	[sflag:s17] =	ssyncset.done $0x0  }
0x10b: {  	s9 =	rddreg [dreg:$0x17];
	[sflag:s17] =	ssyncadd.s32 $0xFFFFEE00  }
0x10c: {  	[spmem:s2] =	stream.indirect.scatter.add.f32 [tilespmem:s13], [sflag:$0x5], $0x90, s9, s12, $0xb8;
	[tilespmem:$0x1AF80] =	vst v63  }
0x10d: {  	_ =	swait.ge [sflag:s18], $0x1200  }
0x10e: {  	[sflag:s18] =	ssyncset.done $0x0  }
0x10f: {  	s9 =	rddreg [dreg:$0x18];
	[sflag:s18] =	ssyncadd.s32 $0xFFFFEE00  }
0x110: {  	[spmem:s2] =	stream.indirect.scatter.add.f32 [tilespmem:s14], [sflag:$0x6], $0x90, s9, s12, $0xb8;
	[tilespmem:$0x1AF80] =	vst v63  }
0x111: {  	_ =	swait.ge [sflag:s19], $0x1200  }
0x112: {  	[sflag:s19] =	ssyncset.done $0x0  }
0x113: {  	s9 =	rddreg [dreg:$0x19];
	[sflag:s19] =	ssyncadd.s32 $0xFFFFEE00  }
0x114: {  	[spmem:s2] =	stream.indirect.scatter.add.f32 [tilespmem:s15], [sflag:$0x7], $0x90, s9, s12, $0xb8;
	[tilespmem:$0x1AF80] =	vst v63  }
0x115: {  	_ =	swait.ge [sflag:s20], $0x1200  }
0x116: {  	[sflag:s20] =	ssyncset.done $0x0  }
0x117: {  	[sflag:s20] =	ssyncadd.s32 $0xFFFFEE00  }
0x118: {  	[spmem:s2] =	stream.indirect.scatter.add.f32 [tilespmem:s16], [sflag:$0x8], $0x90, s25, s12, $0xb8;
	[tilespmem:$0x1AF80] =	vst v63  }
0x119: {  	_ =	swait.ge [sflag:s21], $0x1200  }
0x11a: {  	[sflag:s21] =	ssyncset.done $0x0  }
0x11b: {  	[sflag:s21] =	ssyncadd.s32 $0xFFFFEE00  }
0x11c: {  	[tilespmem:s13], [sflag:$0x1] =	stream.indirect.gather [hbm4b:s4+s12], $0x90, s26, s12, $0xb8;
	[tilespmem:$0x1AF80] =	vst v63  }
0x11d: {  	_ =	swait.ge [sflag:s22], $0x1200  }
0x11e: {  	[sflag:s22] =	ssyncset.done $0x0  }
0x11f: {  	[sflag:s22] =	ssyncadd.s32 $0xFFFFEE00  }
0x120: {  	[tilespmem:s14], [sflag:$0x2] =	stream.indirect.gather [hbm4b:s4+s12], $0x90, s28, s12, $0xb8;
	[tilespmem:$0x1AF80] =	vst v63  }
0x121: {  	_ =	swait.ge [sflag:s23], $0x1200  }
0x122: {  	[sflag:s23] =	ssyncset.done $0x0  }
0x123: {  	[sflag:s23] =	ssyncadd.s32 $0xFFFFEE00  }
0x124: {  	[tilespmem:s15], [sflag:$0x3] =	stream.indirect.gather [hbm4b:s4+s12], $0x90, s29, s12, $0xb8;
	[tilespmem:$0x1AF80] =	vst v63  }
0x125: {  	_ =	swait.ge [sflag:s24], $0x1200  }
0x126: {  	[sflag:s24] =	ssyncset.done $0x0  }
0x127: {  	[sflag:s24] =	ssyncadd.s32 $0xFFFFEE00  }
0x128: {  	[tilespmem:s16], [sflag:$0x4] =	stream.indirect.gather [hbm4b:s4+s12], $0x90, s30, s12, $0xb8;
	[tilespmem:$0x1AF80] =	vst v63  }
0x129: {  	_ =	swait.ge [sflag:s17], $0x1200  }
0x12a: {  	[sflag:s17] =	ssyncset.done $0x0  }
0x12b: {  	[sflag:s17] =	ssyncadd.s32 $0xFFFFEE00  }
0x12c: {  	[spmem:s2] =	stream.indirect.scatter.add.f32 [tilespmem:s13], [sflag:$0x5], $0x90, s31, s12, $0xb8;
	[tilespmem:$0x1AF80] =	vst v63  }
0x12d: {  	_ =	swait.ge [sflag:s18], $0x1200  }
0x12e: {  	[sflag:s18] =	ssyncset.done $0x0  }
0x12f: {  	[sflag:s18] =	ssyncadd.s32 $0xFFFFEE00  }
0x130: {  	[spmem:s2] =	stream.indirect.scatter.add.f32 [tilespmem:s14], [sflag:$0x6], $0x90, s1, s12, $0xb8;
	[tilespmem:$0x1AF80] =	vst v63  }
0x131: {  	_ =	swait.ge [sflag:s19], $0x1200  }
0x132: {  	[sflag:s19] =	ssyncset.done $0x0  }
0x133: {  	[sflag:s19] =	ssyncadd.s32 $0xFFFFEE00  }
0x134: {  	[spmem:s2] =	stream.indirect.scatter.add.f32 [tilespmem:s15], [sflag:$0x7], $0x90, s0, s12, $0xb8;
	[tilespmem:$0x1AF80] =	vst v63  }
0x135: {  	_ =	swait.ge [sflag:s20], $0x1200  }
0x136: {  	[sflag:s20] =	ssyncset.done $0x0  }
0x137: {  	[sflag:s20] =	ssyncadd.s32 $0xFFFFEE00  }
0x138: {  	[spmem:s2] =	stream.indirect.scatter.add.f32 [tilespmem:s16], [sflag:$0x8], $0x90, s5, s12, $0xb8;
	[tilespmem:$0x1AF80] =	vst v63  }
0x139: {  	_ =	swait.ge [sflag:s21], $0x1200  }
0x13a: {  	[sflag:s21] =	ssyncset.done $0x0  }
0x13b: {  	[sflag:s21] =	ssyncadd.s32 $0xFFFFEE00  }
0x13c: {  	_ =	swait.ge [sflag:s22], $0x1200  }
0x13d: {  	[sflag:s22] =	ssyncset.done $0x0  }
0x13e: {  	p0 =	sne.s32 s6, $0x4C0;
	[sflag:s22] =	ssyncadd.s32 $0xFFFFEE00  }
.Ltmp0:
0x13f: {  	_ =	swait.ge [sflag:s23], $0x1200;
	(pc) =	sbr.rel @p0 .LBB2_2-.Ltmp0, $4  }
0x140: {  	[sflag:s23] =	ssyncset.done $0x0  }
0x141: {  	[sflag:s23] =	ssyncadd.s32 $0xFFFFEE00  }
0x142: {  	_ =	swait.ge [sflag:s24], $0x1200  }
0x143: {  	s6 =	sadd.s32 $0x40, s6;
	s9 =	rddreg [dreg:$0x5];
	[sflag:s24] =	ssyncset.done $0x0  }
0x144: {  	[sflag:s24] =	ssyncadd.s32 $0xFFFFEE00;
	s6 =	sadd.s32 s8, s9  }
0x145: {  	[tilespmem:s3], [sflag:$0x9] =	stream.linear.gather [hbm4b:s6+s3], $0x200, $0x38;
	[tilespmem:$0x1AF80] =	vst v63  }
0x146: {  	_ =	swait.ge [sflag:s10], $0x200  }
0x147: {  	s7 =	rddreg [dreg:$0x4];
	[sflag:s10] =	ssyncset.done $0x0  }
0x148: {  	[sflag:s10] =	ssyncadd.s32 $0xFFFFFE00;
	s6 =	sadd.s32 s8, s7  }
0x149: {  	[tilespmem:s11], [sflag:$0x9] =	stream.linear.gather [hbm4b:s6+s3], $0x200, $0x38;
	[tilespmem:$0x1AF80] =	vst v63  }
0x14a: {  	_ =	swait.ge [sflag:s10], $0x200  }
0x14b: {  	[sflag:s10] =	ssyncset.done $0x0  }
0x14c: {  	[sflag:s10] =	ssyncadd.s32 $0xFFFFFE00  }
0x14d: {  	[tilespmem:s13], [sflag:$0x1] =	stream.indirect.gather [hbm4b:s4+s12], $0x90, s3, s12, $0xb8;
	[tilespmem:$0x1AF80] =	vst v63  }
0x14e: {  	_ = 	snop  }
0x14f: {  	[tilespmem:s14], [sflag:$0x2] =	stream.indirect.gather [hbm4b:s4+s12], $0x90, s12, s12, $0xb8;
	[tilespmem:$0x1AF80] =	vst v63  }
0x150: {  	s8 =	rddreg [dreg:$0x6]  }
0x151: {  	[tilespmem:s15], [sflag:$0x3] =	stream.indirect.gather [hbm4b:s4+s12], $0x90, s8, s12, $0xb8;
	[tilespmem:$0x1AF80] =	vst v63  }
0x152: {  	s7 =	rddreg [dreg:$0x7]  }
0x153: {  	[tilespmem:s16], [sflag:$0x4] =	stream.indirect.gather [hbm4b:s4+s12], $0x90, s7, s12, $0xb8;
	[tilespmem:$0x1AF80] =	vst v63  }
0x154: {  	_ =	swait.ge [sflag:s17], $0x1200  }
0x155: {  	[sflag:s17] =	ssyncset.done $0x0  }
0x156: {  	[sflag:s17] =	ssyncadd.s32 $0xFFFFEE00  }
0x157: {  	[spmem:s2] =	stream.indirect.scatter.add.f32 [tilespmem:s13], [sflag:$0x5], $0x90, s11, s12, $0xb8;
	[tilespmem:$0x1AF80] =	vst v63  }
0x158: {  	_ =	swait.ge [sflag:s18], $0x1200  }
0x159: {  	[sflag:s18] =	ssyncset.done $0x0  }
0x15a: {  	s9 =	rddreg [dreg:$0x8];
	[sflag:s18] =	ssyncadd.s32 $0xFFFFEE00  }
0x15b: {  	[spmem:s2] =	stream.indirect.scatter.add.f32 [tilespmem:s14], [sflag:$0x6], $0x90, s9, s12, $0xb8;
	[tilespmem:$0x1AF80] =	vst v63  }
0x15c: {  	_ =	swait.ge [sflag:s19], $0x1200  }
0x15d: {  	[sflag:s19] =	ssyncset.done $0x0  }
0x15e: {  	s7 =	rddreg [dreg:$0x9];
	[sflag:s19] =	ssyncadd.s32 $0xFFFFEE00  }
0x15f: {  	[spmem:s2] =	stream.indirect.scatter.add.f32 [tilespmem:s15], [sflag:$0x7], $0x90, s7, s12, $0xb8;
	[tilespmem:$0x1AF80] =	vst v63  }
0x160: {  	_ =	swait.ge [sflag:s20], $0x1200  }
0x161: {  	[sflag:s20] =	ssyncset.done $0x0  }
0x162: {  	s8 =	rddreg [dreg:$0xa];
	[sflag:s20] =	ssyncadd.s32 $0xFFFFEE00  }
0x163: {  	[spmem:s2] =	stream.indirect.scatter.add.f32 [tilespmem:s16], [sflag:$0x8], $0x90, s8, s12, $0xb8;
	[tilespmem:$0x1AF80] =	vst v63  }
0x164: {  	_ =	swait.ge [sflag:s21], $0x1200  }
0x165: {  	[sflag:s21] =	ssyncset.done $0x0  }
0x166: {  	s9 =	rddreg [dreg:$0xb];
	[sflag:s21] =	ssyncadd.s32 $0xFFFFEE00  }
0x167: {  	[tilespmem:s13], [sflag:$0x1] =	stream.indirect.gather [hbm4b:s4+s12], $0x90, s9, s12, $0xb8;
	[tilespmem:$0x1AF80] =	vst v63  }
0x168: {  	_ =	swait.ge [sflag:s22], $0x1200  }
0x169: {  	[sflag:s22] =	ssyncset.done $0x0  }
0x16a: {  	s7 =	rddreg [dreg:$0xc];
	[sflag:s22] =	ssyncadd.s32 $0xFFFFEE00  }
0x16b: {  	[tilespmem:s14], [sflag:$0x2] =	stream.indirect.gather [hbm4b:s4+s12], $0x90, s7, s12, $0xb8;
	[tilespmem:$0x1AF80] =	vst v63  }
0x16c: {  	_ =	swait.ge [sflag:s23], $0x1200  }
0x16d: {  	[sflag:s23] =	ssyncset.done $0x0  }
0x16e: {  	s8 =	rddreg [dreg:$0xd];
	[sflag:s23] =	ssyncadd.s32 $0xFFFFEE00  }
0x16f: {  	[tilespmem:s15], [sflag:$0x3] =	stream.indirect.gather [hbm4b:s4+s12], $0x90, s8, s12, $0xb8;
	[tilespmem:$0x1AF80] =	vst v63  }
0x170: {  	_ =	swait.ge [sflag:s24], $0x1200  }
0x171: {  	[sflag:s24] =	ssyncset.done $0x0  }
0x172: {  	s9 =	rddreg [dreg:$0xe];
	[sflag:s24] =	ssyncadd.s32 $0xFFFFEE00  }
0x173: {  	[tilespmem:s16], [sflag:$0x4] =	stream.indirect.gather [hbm4b:s4+s12], $0x90, s9, s12, $0xb8;
	[tilespmem:$0x1AF80] =	vst v63  }
0x174: {  	_ =	swait.ge [sflag:s17], $0x1200  }
0x175: {  	[sflag:s17] =	ssyncset.done $0x0  }
0x176: {  	s7 =	rddreg [dreg:$0xf];
	[sflag:s17] =	ssyncadd.s32 $0xFFFFEE00  }
0x177: {  	[spmem:s2] =	stream.indirect.scatter.add.f32 [tilespmem:s13], [sflag:$0x5], $0x90, s7, s12, $0xb8;
	[tilespmem:$0x1AF80] =	vst v63  }
0x178: {  	_ =	swait.ge [sflag:s18], $0x1200  }
0x179: {  	[sflag:s18] =	ssyncset.done $0x0  }
0x17a: {  	s8 =	rddreg [dreg:$0x10];
	[sflag:s18] =	ssyncadd.s32 $0xFFFFEE00  }
0x17b: {  	[spmem:s2] =	stream.indirect.scatter.add.f32 [tilespmem:s14], [sflag:$0x6], $0x90, s8, s12, $0xb8;
	[tilespmem:$0x1AF80] =	vst v63  }
0x17c: {  	_ =	swait.ge [sflag:s19], $0x1200  }
0x17d: {  	[sflag:s19] =	ssyncset.done $0x0  }
0x17e: {  	s9 =	rddreg [dreg:$0x11];
	[sflag:s19] =	ssyncadd.s32 $0xFFFFEE00  }
0x17f: {  	[spmem:s2] =	stream.indirect.scatter.add.f32 [tilespmem:s15], [sflag:$0x7], $0x90, s9, s12, $0xb8;
	[tilespmem:$0x1AF80] =	vst v63  }
0x180: {  	_ =	swait.ge [sflag:s20], $0x1200  }
0x181: {  	[sflag:s20] =	ssyncset.done $0x0  }
0x182: {  	s7 =	rddreg [dreg:$0x12];
	[sflag:s20] =	ssyncadd.s32 $0xFFFFEE00  }
0x183: {  	[spmem:s2] =	stream.indirect.scatter.add.f32 [tilespmem:s16], [sflag:$0x8], $0x90, s7, s12, $0xb8;
	[tilespmem:$0x1AF80] =	vst v63  }
0x184: {  	_ =	swait.ge [sflag:s21], $0x1200  }
0x185: {  	[sflag:s21] =	ssyncset.done $0x0  }
0x186: {  	s8 =	rddreg [dreg:$0x13];
	[sflag:s21] =	ssyncadd.s32 $0xFFFFEE00  }
0x187: {  	[tilespmem:s13], [sflag:$0x1] =	stream.indirect.gather [hbm4b:s4+s12], $0x90, s8, s12, $0xb8;
	[tilespmem:$0x1AF80] =	vst v63  }
0x188: {  	_ =	swait.ge [sflag:s22], $0x1200  }
0x189: {  	[sflag:s22] =	ssyncset.done $0x0  }
0x18a: {  	s9 =	rddreg [dreg:$0x14];
	[sflag:s22] =	ssyncadd.s32 $0xFFFFEE00  }
0x18b: {  	[tilespmem:s14], [sflag:$0x2] =	stream.indirect.gather [hbm4b:s4+s12], $0x90, s9, s12, $0xb8;
	[tilespmem:$0x1AF80] =	vst v63  }
0x18c: {  	_ =	swait.ge [sflag:s23], $0x1200  }
0x18d: {  	[sflag:s23] =	ssyncset.done $0x0  }
0x18e: {  	s7 =	rddreg [dreg:$0x15];
	[sflag:s23] =	ssyncadd.s32 $0xFFFFEE00  }
0x18f: {  	[tilespmem:s15], [sflag:$0x3] =	stream.indirect.gather [hbm4b:s4+s12], $0x90, s7, s12, $0xb8;
	[tilespmem:$0x1AF80] =	vst v63  }
0x190: {  	_ =	swait.ge [sflag:s24], $0x1200  }
0x191: {  	[sflag:s24] =	ssyncset.done $0x0  }
0x192: {  	s8 =	rddreg [dreg:$0x16];
	[sflag:s24] =	ssyncadd.s32 $0xFFFFEE00  }
0x193: {  	[tilespmem:s16], [sflag:$0x4] =	stream.indirect.gather [hbm4b:s4+s12], $0x90, s8, s12, $0xb8;
	[tilespmem:$0x1AF80] =	vst v63  }
0x194: {  	_ =	swait.ge [sflag:s17], $0x1200  }
0x195: {  	[sflag:s17] =	ssyncset.done $0x0  }
0x196: {  	s9 =	rddreg [dreg:$0x17];
	[sflag:s17] =	ssyncadd.s32 $0xFFFFEE00  }
0x197: {  	[spmem:s2] =	stream.indirect.scatter.add.f32 [tilespmem:s13], [sflag:$0x5], $0x90, s9, s12, $0xb8;
	[tilespmem:$0x1AF80] =	vst v63  }
0x198: {  	_ =	swait.ge [sflag:s18], $0x1200  }
0x199: {  	[sflag:s18] =	ssyncset.done $0x0  }
0x19a: {  	s7 =	rddreg [dreg:$0x18];
	[sflag:s18] =	ssyncadd.s32 $0xFFFFEE00  }
0x19b: {  	[spmem:s2] =	stream.indirect.scatter.add.f32 [tilespmem:s14], [sflag:$0x6], $0x90, s7, s12, $0xb8;
	[tilespmem:$0x1AF80] =	vst v63  }
0x19c: {  	_ =	swait.ge [sflag:s19], $0x1200  }
0x19d: {  	[sflag:s19] =	ssyncset.done $0x0  }
0x19e: {  	s8 =	rddreg [dreg:$0x19];
	[sflag:s19] =	ssyncadd.s32 $0xFFFFEE00  }
0x19f: {  	[spmem:s2] =	stream.indirect.scatter.add.f32 [tilespmem:s15], [sflag:$0x7], $0x90, s8, s12, $0xb8;
	[tilespmem:$0x1AF80] =	vst v63  }
0x1a0: {  	_ =	swait.ge [sflag:s20], $0x1200  }
0x1a1: {  	[sflag:s20] =	ssyncset.done $0x0  }
0x1a2: {  	[sflag:s20] =	ssyncadd.s32 $0xFFFFEE00  }
0x1a3: {  	[spmem:s2] =	stream.indirect.scatter.add.f32 [tilespmem:s16], [sflag:$0x8], $0x90, s25, s12, $0xb8;
	[tilespmem:$0x1AF80] =	vst v63  }
0x1a4: {  	_ =	swait.ge [sflag:s21], $0x1200  }
0x1a5: {  	[sflag:s21] =	ssyncset.done $0x0  }
0x1a6: {  	[sflag:s21] =	ssyncadd.s32 $0xFFFFEE00  }
0x1a7: {  	[tilespmem:s13], [sflag:$0x1] =	stream.indirect.gather [hbm4b:s4+s12], $0x90, s26, s12, $0xb8;
	[tilespmem:$0x1AF80] =	vst v63  }
0x1a8: {  	_ =	swait.ge [sflag:s22], $0x1200  }
0x1a9: {  	[sflag:s22] =	ssyncset.done $0x0  }
0x1aa: {  	[sflag:s22] =	ssyncadd.s32 $0xFFFFEE00  }
0x1ab: {  	[tilespmem:s14], [sflag:$0x2] =	stream.indirect.gather [hbm4b:s4+s12], $0x90, s28, s12, $0xb8;
	[tilespmem:$0x1AF80] =	vst v63  }
0x1ac: {  	_ =	swait.ge [sflag:s23], $0x1200  }
0x1ad: {  	[sflag:s23] =	ssyncset.done $0x0  }
0x1ae: {  	[sflag:s23] =	ssyncadd.s32 $0xFFFFEE00  }
0x1af: {  	[tilespmem:s15], [sflag:$0x3] =	stream.indirect.gather [hbm4b:s4+s12], $0x90, s29, s12, $0xb8;
	[tilespmem:$0x1AF80] =	vst v63  }
0x1b0: {  	_ =	swait.ge [sflag:s24], $0x1200  }
0x1b1: {  	[sflag:s24] =	ssyncset.done $0x0  }
0x1b2: {  	[sflag:s24] =	ssyncadd.s32 $0xFFFFEE00  }
0x1b3: {  	[tilespmem:s16], [sflag:$0x4] =	stream.indirect.gather [hbm4b:s4+s12], $0x90, s30, s12, $0xb8;
	[tilespmem:$0x1AF80] =	vst v63  }
0x1b4: {  	_ =	swait.ge [sflag:s17], $0x1200  }
0x1b5: {  	[sflag:s17] =	ssyncset.done $0x0  }
0x1b6: {  	[sflag:s17] =	ssyncadd.s32 $0xFFFFEE00  }
0x1b7: {  	[spmem:s2] =	stream.indirect.scatter.add.f32 [tilespmem:s13], [sflag:$0x5], $0x90, s31, s12, $0xb8;
	[tilespmem:$0x1AF80] =	vst v63  }
0x1b8: {  	_ =	swait.ge [sflag:s18], $0x1200  }
0x1b9: {  	[sflag:s18] =	ssyncset.done $0x0  }
0x1ba: {  	[sflag:s18] =	ssyncadd.s32 $0xFFFFEE00  }
0x1bb: {  	[spmem:s2] =	stream.indirect.scatter.add.f32 [tilespmem:s14], [sflag:$0x6], $0x90, s1, s12, $0xb8;
	[tilespmem:$0x1AF80] =	vst v63  }
0x1bc: {  	_ =	swait.ge [sflag:s19], $0x1200  }
0x1bd: {  	[sflag:s19] =	ssyncset.done $0x0  }
0x1be: {  	[sflag:s19] =	ssyncadd.s32 $0xFFFFEE00  }
0x1bf: {  	[spmem:s2] =	stream.indirect.scatter.add.f32 [tilespmem:s15], [sflag:$0x7], $0x90, s0, s12, $0xb8;
	[tilespmem:$0x1AF80] =	vst v63  }
0x1c0: {  	_ =	swait.ge [sflag:s20], $0x1200  }
0x1c1: {  	[sflag:s20] =	ssyncset.done $0x0  }
0x1c2: {  	[sflag:s20] =	ssyncadd.s32 $0xFFFFEE00  }
0x1c3: {  	[spmem:s2] =	stream.indirect.scatter.add.f32 [tilespmem:s16], [sflag:$0x8], $0x90, s5, s12, $0xb8;
	[tilespmem:$0x1AF80] =	vst v63  }
0x1c4: {  	_ =	swait.ge [sflag:s21], $0x1200  }
0x1c5: {  	[sflag:s21] =	ssyncset.done $0x0  }
0x1c6: {  	[sflag:s21] =	ssyncadd.s32 $0xFFFFEE00  }
0x1c7: {  	_ =	swait.ge [sflag:s22], $0x1200  }
0x1c8: {  	[sflag:s22] =	ssyncset.done $0x0  }
0x1c9: {  	[sflag:s22] =	ssyncadd.s32 $0xFFFFEE00  }
0x1ca: {  	_ =	swait.ge [sflag:s23], $0x1200  }
0x1cb: {  	[sflag:s23] =	ssyncset.done $0x0  }
0x1cc: {  	[sflag:s23] =	ssyncadd.s32 $0xFFFFEE00  }
0x1cd: {  	_ =	swait.ge [sflag:s24], $0x1200  }
0x1ce: {  	[sflag:s24] =	ssyncset.done $0x0  }
0x1cf: {  	[sflag:s24] =	ssyncadd.s32 $0xFFFFEE00  }
0x1d0: {  	[bflag:$0x0] =	sbarrier.arrive $0xFFFF  }
0x1d1: {  	s8 =	rddreg [dreg:$0x1b]  }
0x1d2: {  	s9 =	rddreg [dreg:$0x1c]  }
0x1d3: {  	s7 =	rddreg [dreg:$0x1e]  }
0x1d4: {  	[hbm:s9], [sflag:s8] =	dma.local [spmem:s7], $0x2C70  }
0x1d5: {  	_ =	swait.ge [sflag:s10], $0x2C70  }
0x1d6: {  	s6 =	rddreg [dreg:$0x1f]  }
0x1d7: {  	s9 =	sadd.s32 $0x1, s6;
	s6 =	rddreg [dreg:$0x1d]  }
0x1d8: {  	p0 =	sne.s32 s9, s6  }
.Ltmp1:
0x1d9: {  	_ = 	snop;
	(pc) =	sbr.rel @p0 .LBB2_1-.Ltmp1, $3  }
0x1da: {  	_ =	sdelay $0x1  }
0x1db: {  	[sflag:s10] =	ssyncset.done $0x0  }
0x1dc: {  	[sflag:s10] =	ssyncadd.s32 $0xFFFFD390  }
0x1dd: {  	_ =	sfence.sel $0x180000  }
0x1de: {  	[bflag:$0x0] =	sbarrier.arrive $0xFFFF  }
0x1df: {  	_ =	strace $0x90000047  }
0x1e0: {  	s0 =	stileid.u32;
	[bflag:$0x2] =	sbarrier.arrive $0xFFFF  }
0x1e1: {  	p0 =	sne.s32 s0, $0x0;
	s0 =	rddreg [dreg:$0x3]  }
0x1e2: {  	s0 =	sadd.s32 @!p0 $0x100000, s0  }
0x1e3: {  	[sflag:s0] =	ssyncadd.tile.s32 @!p0 $0x1;
	_ =	shalt  }
.Lfunc_end2:
_tile_overlayer_lowered:
.L_overlay_start_2:
0x1e4: {  	(tag) =	ssettag $0x2  }
0x1e5: {  	s0 =	rddreg [dreg:$0x0];
	s2 =	stileid.u32  }
0x1e6: {  	s1 =	rddreg [dreg:$0x1];
	p0 =	sne.s32 s2, $0x0  }
0x1e7: {  	s3 =	rddreg [dreg:$0x2];
	[bflag:$0x3] =	sbarrier.arrive $0xFFFF;
	s2 =	simm.s32 @!p0 $0x1C09  }
0x1e8: {  	[timem:s3], [sflag:s2] =	dma.local @!p0 [hbm:s0], s1  }
0x1e9: {  	s0 =	simm.s32 @!p0 $0x9  }
0x1ea: {  	_ =	swait.ge @!p0 [sflag:s0], s1  }
0x1eb: {  	s1 =	ssub.s32 @!p0 $0x0, s1;
	[sflag:s0] =	ssyncset.done @!p0 $0x0  }
0x1ec: {  	[sflag:s0] =	ssyncadd.s32 @!p0 s1  }
0x1ed: {  	[bflag:$0x3] =	sbarrier.arrive $0xFFFF  }
0x1ee: {  	_ =	shalt  }

// kernel: kernel.9.cloned.1.call-start
scs
__scs_entry_jumppad:
0x0: {  	(pc) =	sbr.rel $0x88, $3  }
0x1: {  	(tag) =	ssettag $0x0;
	lr =	simm.s32 $0x1  }
0x2: {  	[smem:$0x3F99] =	sst lr;
	_ =	strace $0xD0000000  }
0x3: {  	_ = 	snop  }
0x4: {  	_ = 	snop  }
0x5: {  	_ = 	snop  }
0x6: {  	_ = 	snop  }
0x7: {  	_ = 	snop  }
__scs_overlays_trampoline_lowered:
0x8: {  	[smem:$0x3FA8] =	sst s0  }
0x9: {  	[smem:$0x3FA9] =	sst s1  }
0xa: {  	[smem:$0x3FAA] =	sst s2  }
0xb: {  	[smem:$0x3FAB] =	sst s3  }
0xc: {  	[smem:$0x3FAC] =	sst s4  }
0xd: {  	[smem:$0x3FAD] =	sst s5  }
0xe: {  	[smem:$0x3FAE] =	sst s6  }
0xf: {  	[smem:$0x3FAF] =	sst s7  }
0x10: {  	[smem:$0x3FB0] =	sst s8  }
0x11: {  	[smem:$0x3FB1] =	sst s9;
	s0 =	simm.s32 @!p0 $0x0  }
0x12: {  	s1 =	sld [smem:$0x3F97];
	s0 =	simm.s32 @p0 $0x1  }
0x13: {  	[smem:$0x3FB2] =	sst s0;
	s0 =	simm.s32 @!p1 $0x0  }
0x14: {  	s2 =	sld [smem:$0x3F96];
	s0 =	simm.s32 @p1 $0x1  }
0x15: {  	[smem:$0x3FB3] =	sst s0;
	s0 =	simm.s32 @!p2 $0x0  }
0x16: {  	s3 =	sld [smem:$0x3FDB];
	s0 =	simm.s32 @p2 $0x1  }
0x17: {  	s4 =	simm.s32 $0x1BF5;
	[smem:$0x3FB5] =	sst s0  }
0x18: {  	s0 =	sld [smem:$0x3F98];
	_ =	swait.ge [sflag:s4], $0x0  }
0x19: {  	s7 =	sld [smem:$0x3F99]  }
0x1a: {  	s8 =	sadd.s32 $0xFFFFE003, lr  }
0x1b: {  	s9 =	sadd.s32 $0xFFFFFEF7, lr;
	s5 =	simm.s32 $0xFFFFFFFF;
	p2 =	slt.u32 s8, $0xFFFFF086  }
0x1c: {  	p1 =	slt.u32 s9, $0xF7A;
	s5 =	simm.s32 @!p2 $0x0  }
0x1d: {  	s5 =	simm.s32 @p1 $0x1;
	p0 =	seq.s32 s7, s2  }
0x1e: {  	s7 =	smul.u32 @!p0 $0xF7A, s2;
	p2 =	seq.s32 @!p0 s5, $0x0  }
0x1f: {  	s9 =	smul.u32 $0xF7A, s1;
	s8 =	simm.s32 @!p0 $0x1BF5;
	p2 =	por !p2, p0  }
0x20: {  	[sflag:s8] =	ssyncset.s32 @!p0 $0xFFFFF086;
	s6 =	sadd.s32 @!p0 s3, s7;
	s7 =	simm.s32 @!p0 $0x108  }
0x21: {  	s3 =	sadd.s32 s3, s9;
	s6 =	sadd.s32 @!p0 $0x88, s6;
	s7 =	simm.s32 @p2 $0x1082  }
0x22: {  	[simem:s7], [sflag:s8] =	dma.local @!p0 [hbm:s6], $0xF7A  }
0x23: {  	s9 =	sor.u32 $0xD0000000, s2;
	s6 =	simm.s32 $0x108;
	_ =	swait.ge @!p0 [sflag:s8], $0x0  }
0x24: {  	s3 =	sadd.s32 $0x88, s3;
	s6 =	simm.s32 @!p1 $0x1082;
	[sflag:s4] =	ssyncset.s32 $0xFFFFF086  }
0x25: {  	[simem:s6], [sflag:s4] =	dma.local [hbm:s3], $0xF7A  }
0x26: {  	[smem:$0x3F99] =	sst s1;
	(tag) =	ssettag s2;
	_ =	strace s9  }
0x27: {  	s1 =	sld [smem:$0x3FA9]  }
0x28: {  	s2 =	sld [smem:$0x3FAA]  }
0x29: {  	s4 =	sld [smem:$0x3FAC]  }
0x2a: {  	p0 =	seq.s32 s5, $0x0;
	s5 =	sld [smem:$0x3FAD]  }
0x2b: {  	s6 =	sld [smem:$0x3FAE]  }
0x2c: {  	s7 =	sld [smem:$0x3FAF]  }
0x2d: {  	s3 =	simm.s32 $0x108;
	s8 =	sld [smem:$0x3FB0]  }
0x2e: {  	s3 =	simm.s32 @!p0 $0x1082;
	s9 =	sld [smem:$0x3FB1]  }
0x2f: {  	lr =	sadd.s32 s0, s3;
	s0 =	sld [smem:$0x3FA8]  }
0x30: {  	s3 =	sld [smem:$0x3FAB]  }
0x31: {  	[smem:$0x3FB4] =	sst s10  }
0x32: {  	s10 =	sld [smem:$0x3FB2];
	_ =	sdelay $0x3  }
0x33: {  	p0 =	seq.s32 s10, $0x1;
	s10 =	sld [smem:$0x3FB4];
	_ =	sdelay $0x3  }
0x34: {  	[smem:$0x3FB4] =	sst s10  }
0x35: {  	s10 =	sld [smem:$0x3FB3];
	_ =	sdelay $0x3  }
0x36: {  	p1 =	seq.s32 s10, $0x1;
	s10 =	sld [smem:$0x3FB4];
	_ =	sdelay $0x3  }
0x37: {  	[smem:$0x3FB4] =	sst s10  }
0x38: {  	s10 =	sld [smem:$0x3FB5]  }
0x39: {  	_ = 	snop;
	(pc) =	sbr.ind lr, $3  }
0x3a: {  	_ = 	snop  }
0x3b: {  	_ = 	snop  }
0x3c: {  	p2 =	seq.s32 s10, $0x1;
	s10 =	sld [smem:$0x3FB4]  }
0x3d: {  	_ =	shalt  }
0x3e: {  	_ =	shalt  }
0x3f: {  	_ =	shalt  }
0x40: {  	_ =	shalt  }
0x41: {  	_ =	shalt  }
0x42: {  	_ =	shalt  }
0x43: {  	_ =	shalt  }
0x44: {  	_ =	shalt  }
0x45: {  	_ =	shalt  }
0x46: {  	_ =	shalt  }
0x47: {  	_ =	shalt  }
0x48: {  	_ =	shalt  }
0x49: {  	_ =	shalt  }
0x4a: {  	_ =	shalt  }
0x4b: {  	_ =	shalt  }
0x4c: {  	_ =	shalt  }
0x4d: {  	_ =	shalt  }
0x4e: {  	_ =	shalt  }
0x4f: {  	_ =	shalt  }
0x50: {  	_ =	shalt  }
0x51: {  	_ =	shalt  }
0x52: {  	_ =	shalt  }
0x53: {  	_ =	shalt  }
0x54: {  	_ =	shalt  }
0x55: {  	_ =	shalt  }
0x56: {  	_ =	shalt  }
0x57: {  	_ =	shalt  }
0x58: {  	_ =	shalt  }
0x59: {  	_ =	shalt  }
0x5a: {  	_ =	shalt  }
0x5b: {  	_ =	shalt  }
0x5c: {  	_ =	shalt  }
0x5d: {  	_ =	shalt  }
0x5e: {  	_ =	shalt  }
0x5f: {  	_ =	shalt  }
0x60: {  	_ =	shalt  }
0x61: {  	_ =	shalt  }
0x62: {  	_ =	shalt  }
0x63: {  	_ =	shalt  }
0x64: {  	_ =	shalt  }
0x65: {  	_ =	shalt  }
0x66: {  	_ =	shalt  }
0x67: {  	_ =	shalt  }
0x68: {  	_ =	shalt  }
0x69: {  	_ =	shalt  }
0x6a: {  	_ =	shalt  }
0x6b: {  	_ =	shalt  }
0x6c: {  	_ =	shalt  }
0x6d: {  	_ =	shalt  }
0x6e: {  	_ =	shalt  }
0x6f: {  	_ =	shalt  }
0x70: {  	_ =	shalt  }
0x71: {  	_ =	shalt  }
0x72: {  	_ =	shalt  }
0x73: {  	_ =	shalt  }
0x74: {  	_ =	shalt  }
0x75: {  	_ =	shalt  }
0x76: {  	_ =	shalt  }
0x77: {  	_ =	shalt  }
0x78: {  	_ =	shalt  }
0x79: {  	_ =	shalt  }
0x7a: {  	_ =	shalt  }
0x7b: {  	_ =	shalt  }
0x7c: {  	_ =	shalt  }
0x7d: {  	_ =	shalt  }
0x7e: {  	_ =	shalt  }
0x7f: {  	_ =	shalt  }
0x80: {  	_ =	shalt  }
0x81: {  	_ =	shalt  }
0x82: {  	_ =	shalt  }
0x83: {  	_ =	shalt  }
0x84: {  	_ =	shalt  }
0x85: {  	_ =	shalt  }
0x86: {  	_ =	shalt  }
0x87: {  	_ =	shalt  }
.Lfunc_end0:
.L_simem_size_0:
called_computation.1_lowered:
.L_overlay_start_0:
0x88: {  	s2 =	sld [smem:$0x3FD9]  }
0x89: {  	s3 =	sld [smem:$0x3FFE];
	_ =	sdelay $0x1  }
0x8a: {  	s1 =	srdreg.scid  }
0x8b: {  	s0 =	sand.u32 $0x1, s1  }
0x8c: {  	s17 =	sshll.u32 s0, $0xA;
	s2 =	sadd.s32 s3, s2  }
0x8d: {  	s2 =	sadd.s32 s2, s17  }
0x8e: {  	[smem:$0x3FC0] =	sst s2  }
0x8f: {  	_ = 	snop  }
0x90: {  	s2 =	sld [smem:$0x3FD0];
	(tm) =	ssettm $0x1  }
0x91: {  	s18 =	sld [smem:$0x3FFB];
	_ =	sdelay $0x3  }
0x92: {  	_ =	strace s18  }
0x93: {  	s3 =	sld [smem:$0x3FFC];
	_ =	sdelay $0x3  }
0x94: {  	_ =	strace s3  }
0x95: {  	s3 =	sld [smem:$0x3FFD];
	_ =	sdelay $0x3  }
0x96: {  	_ =	strace s3  }
0x97: {  	_ =	strace $0x8FFFFFFF  }
0x98: {  	s19 =	sld [smem:$0x3FDB];
	_ =	sdelay $0x1  }
0x99: {  	s4 =	simm.s32 $_scs_section_size  }
0x9a: {  	s5 =	simm.s32 $_size__tile_overlayer_lowered;
	s6 =	simm.s32 $_tile_overlayer_lowered  }
0x9b: {  	s22 =	simm.s32 $0x1BFF;
	s21 =	sshll.u32 s6, $0x1;
	s3 =	sadd.s32 s4, s19  }
0x9c: {  	s7 =	simm.s32 $0x0;
	s20 =	sshll.u32 s5, $0x1;
	s5 =	sadd.s32 s21, s3  }
0x9d: {  	[timem:s7], [sflag:s22] =	dma.local [hbm:s5], s20  }
0x9e: {  	_ =	swait.ge [sflag:s22], s20  }
0x9f: {  	s4 =	ssub.s32 $0x0, s20;
	[sflag:s22] =	ssyncset.done $0x0  }
0xa0: {  	[sflag:s22] =	ssyncadd.s32 s4;
	_ =	sdelay $0x1  }
0xa1: {  	s23 =	simm.s32 $0x1B8B  }
0xa2: {  	_ =	swait.ge [sflag:s23], $0x1  }
0xa3: {  	[sflag:s23] =	ssyncset.done $0x0  }
0xa4: {  	s25 =	simm.s32 $0x1B8E;
	s24 =	sld [smem:$0x3FFE];
	[sflag:s23] =	ssyncadd.s32 $0xFFFFFFFF  }
0xa5: {  	s26 =	simm.s32 $execute0_lowered;
	[smem:$0x3FD2] =	sst s25  }
0xa6: {  	s5 =	sshll.u32 s26, $0x1;
	_ =	strace $0x80000049;
	[dreg:$0x1] =	wrdreg $0xFFFFFFFF  }
0xa7: {  	s28 =	simm.s32 $_size_execute0_lowered;
	s3 =	sadd.s32 s3, s5;
	[dreg:$0x0] =	wrdreg $0x0  }
0xa8: {  	s5 =	sshll.u32 s28, $0x1;
	[dreg:$0x2] =	wrdreg s3  }
0xa9: {  	[dreg:$0x3] =	wrdreg s5  }
0xaa: {  	[dreg:$0x4] =	wrdreg $0xC0  }
0xab: {  	_ =	task [dreg:s7], $0x5FFFF  }
0xac: {  	[dreg:$0x1] =	wrdreg $0xFFFFFFFF  }
0xad: {  	[dreg:$0x0] =	wrdreg $0x60  }
0xae: {  	[dreg:$0x2] =	wrdreg s24  }
0xaf: {  	[dreg:$0x3] =	wrdreg s2  }
0xb0: {  	[dreg:$0x4] =	wrdreg $0x5A000  }
0xb1: {  	[dreg:$0x5] =	wrdreg $0x9  }
0xb2: {  	_ =	task.clear_ibuf [dreg:s7], $0x6FFFF;
	_ =	strace $0x90000049  }
0xb3: {  	s29 =	simm.s32 $0x9;
	_ =	strace $0x8000004B  }
0xb4: {  	_ =	swait.ge [sflag:s29], $0x1  }
0xb5: {  	[sflag:s29] =	ssyncadd.s32 $0xFFFFFFFF  }
0xb6: {  	_ =	strace $0x9000004B  }
0xb7: {  	_ =	sfence  }
0xb8: {  	s30 =	sld [smem:$0x0];
	_ =	sdelay $0x2  }
0xb9: {  	s31 =	sshll.u32 s1, $0xD;
	s1 =	sshrl.u32 s1, $0x2  }
0xba: {  	s3 =	sand.u32 $0x4000, s31;
	s1 =	sadd.s32 s1, s30  }
0xbb: {  	s0 =	sor.u32 s3, s0;
	s1 =	sshll.u32 s1, $0x11  }
0xbc: {  	s0 =	sor.u32 s1, s0  }
0xbd: {  	s0 =	sadd.s32 $0x8F2B, s0  }
0xbe: {  	[sflag:s0] =	ssyncadd.remote.s32 $0x1  }
0xbf: {  	_ =	sfence.sel $0xFFFF  }
0xc0: {  	[dreg:$0x0] =	wrdreg $0xFFFFFFFF;
	(pc) =	sbr.abs _section_cstart, $3  }
0xc1: {  	[dreg:$0x1] =	wrdreg $0xFFFFFFFF  }
0xc2: {  	_ =	task.clear_ibuf [dreg:s7], $0x2FFFF;
	_ =	strace $0x9FFFFFFF  }
0xc3: {  	(tm) =	ssettm $0x7FFFFFFF  }
tec
execute0_lowered:
.L_overlay_start_1:
0x0: {  	(tag) =	ssettag $0x1  }
0x1: {  	s0 =	rddreg [dreg:$0x0]  }
0x2: {  	s2 =	rddreg [dreg:$0x1]  }
0x3: {  	s3 =	rddreg [dreg:$0x2]  }
0x4: {  	s12 =	stileid.u32;
	s4 =	simm.s32 $0x0;
	s5 =	srdreg.scid  }
0x5: {  	s13 =	simm.s32 $0x9;
	s14 =	simm.s32 $0x500;
	s15 =	simm.s32 $0x28  }
0x6: {  	s16 =	simm.s32 $0xA00;
	s17 =	simm.s32 $0x1E00;
	s18 =	simm.s32 $0x50  }
0x7: {  	s19 =	simm.s32 $0x3200;
	s20 =	simm.s32 $0x78;
	s21 =	simm.s32 $0x4600  }
0x8: {  	s28 =	simm.s32 $0x6;
	s29 =	simm.s32 $0x7;
	s30 =	simm.s32 $0x8  }
0x9: {  	s31 =	simm.s32 $0x960;
	s1 =	smul.u32 $0x13C00, s12;
	[smem:$0x7FF] =	sst s4  }
0xa: {  	s7 =	sand.u32 $0x1, s5;
	s8 =	smul.u32 $0x2780, s12;
	s5 =	sadd.s32 $0xC000, s0  }
0xb: {  	s6 =	sadd.s32 $0x2000, s0;
	s24 =	sshll.u32 s12, $0x1;
	s25 =	sshll.u32 s12, $0x6  }
0xc: {  	_ =	strace $0x8000004A;
	s9 =	smul.u32 $0x27800, s7;
	s11 =	ssub.s32 $0x2, s7  }
0xd: {  	s7 =	sor.u32 s7, s24;
	s24 =	simm.s32 $0x3;
	s10 =	sshrl.u32 s1, $0x3  }
0xe: {  	s22 =	sshrl.u32 s11, $0x1;
	s1 =	sadd.s32 s1, s3;
	s10 =	sadd.s32 s10, s0  }
0xf: {  	s8 =	sadd.s32 s8, s9;
	s23 =	ssub.s32 s11, s22;
	s9 =	smul.u32 $0x2800, s7  }
0x10: {  	s11 =	sshrl.u32 s1, $0x3;
	s22 =	simm.s32 $0x1;
	s1 =	simm.s32 $0x9B0  }
0x11: {  	s7 =	simm.s32 $0x9D8;
	s10 =	sadd.s32 $0x33800, s10;
	[dreg:$0x8] =	wrdreg s11  }
0x12: {  	s0 =	sadd.s32 s8, s0;
	s26 =	smax.u32 s23, $0x1;
	[dreg:$0x4] =	wrdreg s10  }
0x13: {  	s23 =	simm.s32 $0x2;
	s0 =	sadd.s32 $0x5B000, s0;
	[dreg:$0x7] =	wrdreg s26  }
0x14: {  	s10 =	sor.u32 $0x1C09, s25;
	s25 =	simm.s32 $0x4;
	[dreg:$0x6] =	wrdreg s0  }
0x15: {  	s26 =	simm.s32 $0x5;
	s0 =	simm.s32 $0x988;
	[dreg:$0x5] =	wrdreg s10  }
.LBB2_1:
0x16: {  	s8 =	rddreg [dreg:$0x4]  }
0x17: {  	[spmem:s11], [sflag:s10] =	dma.local [hbm:s8], $0x2780  }
0x18: {  	_ =	swait.ge [sflag:s13], $0x2780  }
0x19: {  	[sflag:s13] =	ssyncset.done $0x0  }
0x1a: {  	[sflag:s13] =	ssyncadd.s32 $0xFFFFD880  }
0x1b: {  	s10 =	simm.s32 $0x0;
	[bflag:$0x0] =	sbarrier.arrive $0xFFFF  }
.LBB2_2:
0x1c: {  	s8 =	smul.u32 $0x500, s10;
	_ =	sdelay $0x1  }
0x1d: {  	s8 =	sadd.s32 s9, s8  }
0x1e: {  	s8 =	sshrl.u32 s8, $0x3  }
0x1f: {  	s12 =	simm.s32 $0x0;
	s11 =	sadd.s32 s2, s8  }
0x20: {  	[tilespmem:s12], [sflag:$0x9] =	stream.linear.gather [hbm4b:s11+s12], $0x500, $0x38;
	[tilespmem:$0x19600] =	vst v63  }
0x21: {  	_ =	swait.ge [sflag:s13], $0x500  }
0x22: {  	[sflag:s13] =	ssyncset.done $0x0  }
0x23: {  	s8 =	sadd.s32 s6, s8;
	[sflag:s13] =	ssyncadd.s32 $0xFFFFFB00  }
0x24: {  	[tilespmem:s14], [sflag:$0x9] =	stream.linear.gather [hbm4b:s8+s12], $0x500, $0x38;
	[tilespmem:$0x19600] =	vst v63  }
0x25: {  	_ =	swait.ge [sflag:s13], $0x500  }
0x26: {  	[sflag:s13] =	ssyncset.done $0x0  }
0x27: {  	[sflag:s13] =	ssyncadd.s32 $0xFFFFFB00  }
0x28: {  	[tilespmem:s16], [sflag:$0x1] =	stream.indirect.gather [hbm4b:s5+s15], $0x80, s12, s15, $0xb8;
	[tilespmem:$0x19600] =	vst v63  }
0x29: {  	_ = 	snop  }
0x2a: {  	[tilespmem:s17], [sflag:$0x2] =	stream.indirect.gather [hbm4b:s5+s15], $0x80, s15, s15, $0xb8;
	[tilespmem:$0x19600] =	vst v63  }
0x2b: {  	_ = 	snop  }
0x2c: {  	[tilespmem:s19], [sflag:$0x3] =	stream.indirect.gather [hbm4b:s5+s15], $0x80, s18, s15, $0xb8;
	[tilespmem:$0x19600] =	vst v63  }
0x2d: {  	_ = 	snop  }
0x2e: {  	[tilespmem:s21], [sflag:$0x4] =	stream.indirect.gather [hbm4b:s5+s15], $0x80, s20, s15, $0xb8;
	[tilespmem:$0x19600] =	vst v63  }
0x2f: {  	_ =	swait.ge [sflag:s22], $0x1400  }
0x30: {  	[sflag:s22] =	ssyncset.done $0x0  }
0x31: {  	s12 =	simm.s32 $0x500;
	[sflag:s22] =	ssyncadd.s32 $0xFFFFEC00  }
0x32: {  	[spmem:s3] =	stream.indirect.scatter.add.f32 [tilespmem:s16], [sflag:$0x5], $0x80, s12, s15, $0xb8;
	[tilespmem:$0x19600] =	vst v63  }
0x33: {  	_ =	swait.ge [sflag:s23], $0x1400  }
0x34: {  	[sflag:s23] =	ssyncset.done $0x0  }
0x35: {  	s11 =	simm.s32 $0x528;
	[sflag:s23] =	ssyncadd.s32 $0xFFFFEC00  }
0x36: {  	[spmem:s3] =	stream.indirect.scatter.add.f32 [tilespmem:s17], [sflag:$0x6], $0x80, s11, s15, $0xb8;
	[tilespmem:$0x19600] =	vst v63  }
0x37: {  	_ =	swait.ge [sflag:s24], $0x1400  }
0x38: {  	[sflag:s24] =	ssyncset.done $0x0  }
0x39: {  	s12 =	simm.s32 $0x550;
	[sflag:s24] =	ssyncadd.s32 $0xFFFFEC00  }
0x3a: {  	[spmem:s3] =	stream.indirect.scatter.add.f32 [tilespmem:s19], [sflag:$0x7], $0x80, s12, s15, $0xb8;
	[tilespmem:$0x19600] =	vst v63  }
0x3b: {  	_ =	swait.ge [sflag:s25], $0x1400  }
0x3c: {  	[sflag:s25] =	ssyncset.done $0x0  }
0x3d: {  	s11 =	simm.s32 $0x578;
	[sflag:s25] =	ssyncadd.s32 $0xFFFFEC00  }
0x3e: {  	[spmem:s3] =	stream.indirect.scatter.add.f32 [tilespmem:s21], [sflag:$0x8], $0x80, s11, s15, $0xb8;
	[tilespmem:$0x19600] =	vst v63  }
0x3f: {  	_ =	swait.ge [sflag:s26], $0x1400  }
0x40: {  	[sflag:s26] =	ssyncset.done $0x0  }
0x41: {  	s12 =	simm.s32 $0xA0;
	[sflag:s26] =	ssyncadd.s32 $0xFFFFEC00  }
0x42: {  	[tilespmem:s16], [sflag:$0x1] =	stream.indirect.gather [hbm4b:s5+s15], $0x80, s12, s15, $0xb8;
	[tilespmem:$0x19600] =	vst v63  }
0x43: {  	_ =	swait.ge [sflag:s28], $0x1400  }
0x44: {  	[sflag:s28] =	ssyncset.done $0x0  }
0x45: {  	s11 =	simm.s32 $0xC8;
	[sflag:s28] =	ssyncadd.s32 $0xFFFFEC00  }
0x46: {  	[tilespmem:s17], [sflag:$0x2] =	stream.indirect.gather [hbm4b:s5+s15], $0x80, s11, s15, $0xb8;
	[tilespmem:$0x19600] =	vst v63  }
0x47: {  	_ =	swait.ge [sflag:s29], $0x1400  }
0x48: {  	[sflag:s29] =	ssyncset.done $0x0  }
0x49: {  	s12 =	simm.s32 $0xF0;
	[sflag:s29] =	ssyncadd.s32 $0xFFFFEC00  }
0x4a: {  	[tilespmem:s19], [sflag:$0x3] =	stream.indirect.gather [hbm4b:s5+s15], $0x80, s12, s15, $0xb8;
	[tilespmem:$0x19600] =	vst v63  }
0x4b: {  	_ =	swait.ge [sflag:s30], $0x1400  }
0x4c: {  	[sflag:s30] =	ssyncset.done $0x0  }
0x4d: {  	s8 =	simm.s32 $0x118;
	s11 =	simm.s32 $0x280;
	[sflag:s30] =	ssyncadd.s32 $0xFFFFEC00  }
.LBB2_3:
0x4e: {  	[tilespmem:s21], [sflag:$0x4] =	stream.indirect.gather [hbm4b:s5+s15], $0x80, s8, s15, $0xb8;
	[tilespmem:$0x19600] =	vst v63  }
0x4f: {  	s8 =	smov.u32 s11  }
0x50: {  	p0 =	sne.s32 s11, $0xF00;
	s11 =	sadd.s32 $0x280, s11;
	_ =	swait.ge [sflag:s22], $0x1400  }
0x51: {  	s8 =	sshra.s32 s8, $0x2;
	[sflag:s22] =	ssyncset.done $0x0  }
0x52: {  	s12 =	sadd.s32 $0x500, s8;
	[sflag:s22] =	ssyncadd.s32 $0xFFFFEC00  }
0x53: {  	[spmem:s3] =	stream.indirect.scatter.add.f32 [tilespmem:s16], [sflag:$0x5], $0x80, s12, s15, $0xb8;
	[tilespmem:$0x19600] =	vst v63  }
0x54: {  	_ =	swait.ge [sflag:s23], $0x1400  }
0x55: {  	[sflag:s23] =	ssyncset.done $0x0  }
0x56: {  	s12 =	sadd.s32 $0x528, s8;
	[sflag:s23] =	ssyncadd.s32 $0xFFFFEC00  }
0x57: {  	[spmem:s3] =	stream.indirect.scatter.add.f32 [tilespmem:s17], [sflag:$0x6], $0x80, s12, s15, $0xb8;
	[tilespmem:$0x19600] =	vst v63  }
0x58: {  	_ =	swait.ge [sflag:s24], $0x1400  }
0x59: {  	[sflag:s24] =	ssyncset.done $0x0  }
0x5a: {  	s12 =	sadd.s32 $0x550, s8;
	[sflag:s24] =	ssyncadd.s32 $0xFFFFEC00  }
0x5b: {  	[spmem:s3] =	stream.indirect.scatter.add.f32 [tilespmem:s19], [sflag:$0x7], $0x80, s12, s15, $0xb8;
	[tilespmem:$0x19600] =	vst v63  }
0x5c: {  	_ =	swait.ge [sflag:s25], $0x1400  }
0x5d: {  	[sflag:s25] =	ssyncset.done $0x0  }
0x5e: {  	s12 =	sadd.s32 $0x578, s8;
	[sflag:s25] =	ssyncadd.s32 $0xFFFFEC00  }
0x5f: {  	[spmem:s3] =	stream.indirect.scatter.add.f32 [tilespmem:s21], [sflag:$0x8], $0x80, s12, s15, $0xb8;
	[tilespmem:$0x19600] =	vst v63  }
0x60: {  	_ =	swait.ge [sflag:s26], $0x1400  }
0x61: {  	[sflag:s26] =	ssyncset.done $0x0  }
0x62: {  	s12 =	sadd.s32 $0xA0, s8;
	[sflag:s26] =	ssyncadd.s32 $0xFFFFEC00  }
0x63: {  	[tilespmem:s16], [sflag:$0x1] =	stream.indirect.gather [hbm4b:s5+s15], $0x80, s12, s15, $0xb8;
	[tilespmem:$0x19600] =	vst v63  }
0x64: {  	_ =	swait.ge [sflag:s28], $0x1400  }
0x65: {  	[sflag:s28] =	ssyncset.done $0x0  }
0x66: {  	s12 =	sadd.s32 $0xC8, s8;
	[sflag:s28] =	ssyncadd.s32 $0xFFFFEC00  }
0x67: {  	[tilespmem:s17], [sflag:$0x2] =	stream.indirect.gather [hbm4b:s5+s15], $0x80, s12, s15, $0xb8;
	[tilespmem:$0x19600] =	vst v63  }
0x68: {  	_ =	swait.ge [sflag:s29], $0x1400  }
0x69: {  	[sflag:s29] =	ssyncset.done $0x0  }
.Ltmp0:
0x6a: {  	s12 =	sadd.s32 $0xF0, s8;
	[sflag:s29] =	ssyncadd.s32 $0xFFFFEC00;
	(pc) =	sbr.rel @p0 .LBB2_3-.Ltmp0, $4  }
0x6b: {  	[tilespmem:s19], [sflag:$0x3] =	stream.indirect.gather [hbm4b:s5+s15], $0x80, s12, s15, $0xb8;
	[tilespmem:$0x19600] =	vst v63  }
0x6c: {  	_ =	swait.ge [sflag:s30], $0x1400  }
0x6d: {  	[sflag:s30] =	ssyncset.done $0x0  }
0x6e: {  	s8 =	sadd.s32 $0x118, s8;
	[sflag:s30] =	ssyncadd.s32 $0xFFFFEC00  }
0x6f: {  	[tilespmem:s21], [sflag:$0x4] =	stream.indirect.gather [hbm4b:s5+s15], $0x80, s8, s15, $0xb8;
	[tilespmem:$0x19600] =	vst v63  }
0x70: {  	_ =	swait.ge [sflag:s22], $0x1400  }
0x71: {  	[sflag:s22] =	ssyncset.done $0x0  }
0x72: {  	[sflag:s22] =	ssyncadd.s32 $0xFFFFEC00  }
0x73: {  	[spmem:s3] =	stream.indirect.scatter.add.f32 [tilespmem:s16], [sflag:$0x5], $0x80, s31, s15, $0xb8;
	[tilespmem:$0x19600] =	vst v63  }
0x74: {  	_ =	swait.ge [sflag:s23], $0x1400  }
0x75: {  	[sflag:s23] =	ssyncset.done $0x0  }
0x76: {  	[sflag:s23] =	ssyncadd.s32 $0xFFFFEC00  }
0x77: {  	[spmem:s3] =	stream.indirect.scatter.add.f32 [tilespmem:s17], [sflag:$0x6], $0x80, s0, s15, $0xb8;
	[tilespmem:$0x19600] =	vst v63  }
0x78: {  	_ =	swait.ge [sflag:s24], $0x1400  }
0x79: {  	[sflag:s24] =	ssyncset.done $0x0  }
0x7a: {  	[sflag:s24] =	ssyncadd.s32 $0xFFFFEC00  }
0x7b: {  	[spmem:s3] =	stream.indirect.scatter.add.f32 [tilespmem:s19], [sflag:$0x7], $0x80, s1, s15, $0xb8;
	[tilespmem:$0x19600] =	vst v63  }
0x7c: {  	_ =	swait.ge [sflag:s25], $0x1400  }
0x7d: {  	[sflag:s25] =	ssyncset.done $0x0  }
0x7e: {  	[sflag:s25] =	ssyncadd.s32 $0xFFFFEC00  }
0x7f: {  	[spmem:s3] =	stream.indirect.scatter.add.f32 [tilespmem:s21], [sflag:$0x8], $0x80, s7, s15, $0xb8;
	[tilespmem:$0x19600] =	vst v63  }
0x80: {  	_ =	swait.ge [sflag:s26], $0x1400  }
0x81: {  	[sflag:s26] =	ssyncset.done $0x0  }
0x82: {  	[sflag:s26] =	ssyncadd.s32 $0xFFFFEC00  }
0x83: {  	_ =	swait.ge [sflag:s28], $0x1400  }
0x84: {  	[sflag:s28] =	ssyncset.done $0x0  }
0x85: {  	s10 =	sadd.s32 $0x1, s10;
	[sflag:s28] =	ssyncadd.s32 $0xFFFFEC00  }
0x86: {  	p0 =	sne.s32 s10, $0x8;
	_ =	swait.ge [sflag:s29], $0x1400  }
.Ltmp1:
0x87: {  	[sflag:s29] =	ssyncset.done $0x0;
	(pc) =	sbr.rel @p0 .LBB2_2-.Ltmp1, $4  }
0x88: {  	[sflag:s29] =	ssyncadd.s32 $0xFFFFEC00  }
0x89: {  	_ =	swait.ge [sflag:s30], $0x1400  }
0x8a: {  	[sflag:s30] =	ssyncset.done $0x0  }
0x8b: {  	[sflag:s30] =	ssyncadd.s32 $0xFFFFEC00  }
0x8c: {  	[bflag:$0x0] =	sbarrier.arrive $0xFFFF  }
0x8d: {  	s10 =	rddreg [dreg:$0x5]  }
0x8e: {  	s8 =	rddreg [dreg:$0x6]  }
0x8f: {  	s11 =	rddreg [dreg:$0x8]  }
0x90: {  	[hbm:s8], [sflag:s10] =	dma.local [spmem:s11], $0x2780  }
0x91: {  	_ =	swait.ge [sflag:s13], $0x2780  }
0x92: {  	s4 =	sadd.s32 $0x1, s4;
	s12 =	rddreg [dreg:$0x7]  }
0x93: {  	p0 =	sne.s32 s4, s12  }
.Ltmp2:
0x94: {  	_ = 	snop;
	(pc) =	sbr.rel @p0 .LBB2_1-.Ltmp2, $3  }
0x95: {  	_ =	sdelay $0x1  }
0x96: {  	[sflag:s13] =	ssyncset.done $0x0  }
0x97: {  	[sflag:s13] =	ssyncadd.s32 $0xFFFFD880  }
0x98: {  	_ =	sfence.sel $0x180000  }
0x99: {  	[bflag:$0x0] =	sbarrier.arrive $0xFFFF  }
0x9a: {  	_ =	strace $0x9000004A  }
0x9b: {  	s0 =	stileid.u32;
	[bflag:$0x2] =	sbarrier.arrive $0xFFFF  }
0x9c: {  	p0 =	sne.s32 s0, $0x0;
	s0 =	rddreg [dreg:$0x3]  }
0x9d: {  	s0 =	sadd.s32 @!p0 $0x100000, s0  }
0x9e: {  	[sflag:s0] =	ssyncadd.tile.s32 @!p0 $0x1;
	_ =	shalt  }
.Lfunc_end2:
_tile_overlayer_lowered:
.L_overlay_start_2:
0x9f: {  	(tag) =	ssettag $0x2  }
0xa0: {  	s0 =	rddreg [dreg:$0x0];
	s2 =	stileid.u32  }
0xa1: {  	s1 =	rddreg [dreg:$0x1];
	p0 =	sne.s32 s2, $0x0  }
0xa2: {  	s3 =	rddreg [dreg:$0x2];
	[bflag:$0x3] =	sbarrier.arrive $0xFFFF;
	s2 =	simm.s32 @!p0 $0x1C09  }
0xa3: {  	[timem:s3], [sflag:s2] =	dma.local @!p0 [hbm:s0], s1  }
0xa4: {  	s0 =	simm.s32 @!p0 $0x9  }
0xa5: {  	_ =	swait.ge @!p0 [sflag:s0], s1  }
0xa6: {  	s1 =	ssub.s32 @!p0 $0x0, s1;
	[sflag:s0] =	ssyncset.done @!p0 $0x0  }
0xa7: {  	[sflag:s0] =	ssyncadd.s32 @!p0 s1  }
0xa8: {  	[bflag:$0x3] =	sbarrier.arrive $0xFFFF  }
0xa9: {  	_ =	shalt  }

</sc_bundles>
